<compile_context>
chip_gen: v7x
topology: tpu7x:2x2x1
jax: 0.10.2.dev20260603
libtpu: 0.0.44.dev20260713+nightly
codegen_flags: <defaults>
</compile_context>

<pallas_src>
import functools

import jax
import jax.numpy as jnp
from jax import lax
from jax.experimental import pallas as pl
from jax.experimental.pallas import tpu as pltpu
from jax.experimental.pallas import tpu_sc as plsc

NC = 2
NS = 16
L = 16
NW = NC * NS

B = 16384
C = 1000
PER_W = B // NW
CHUNKS = PER_W // 128
ROWS128 = B // 128


def _gather_body(logits_hbm, y_hbm, out_hbm, y_v, idx_v, vals_v, sem):
    wid = lax.axis_index("s") * NC + lax.axis_index("c")
    row0 = wid * CHUNKS
    pltpu.sync_copy(y_hbm.at[pl.ds(row0, CHUNKS)], y_v)
    copies = []
    for r in range(CHUNKS):
        b = row0 + r
        for g in range(128 // L):
            col = g * L
            yv = y_v[r, pl.ds(col, L)]
            lane = col + lax.iota(jnp.int32, L)
            idx_v[r, pl.ds(col, L)] = (
                (yv >> 3) * 131072 + b * 1024 + (yv & 7) * 128 + lane
            )
        copies.append(
            pltpu.async_copy(logits_hbm.at[idx_v.at[r]], vals_v.at[r], sem)
        )
    for cp in copies:
        cp.wait()
    pltpu.sync_copy(vals_v, out_hbm.at[pl.ds(row0, CHUNKS)])


@jax.jit
def _identity_loss(logits_flat, y2d):
    mesh = plsc.VectorSubcoreMesh(core_axis_name="c", subcore_axis_name="s")
    run = pl.kernel(
        _gather_body,
        out_type=jax.ShapeDtypeStruct((ROWS128, 128), jnp.float32),
        mesh=mesh,
        scratch_types=[
            pltpu.VMEM((CHUNKS, 128), jnp.int32),
            pltpu.VMEM((CHUNKS, 128), jnp.int32),
            pltpu.VMEM((CHUNKS, 128), jnp.float32),
            pltpu.SemaphoreType.DMA,
        ],
    )
    return run(logits_flat, y2d)


def kernel(logits, y):
    logits_flat = (
        logits.T.reshape(C // 8, 8, B // 128, 128)
        .transpose(0, 2, 1, 3)
        .reshape(-1)
    )
    y2d = y.astype(jnp.int32).reshape(ROWS128, 128)
    return _identity_loss(logits_flat, y2d).reshape(-1)

# --- scband reference (transcript-rebuilt; emitter-appended) ---
"""Pipeline reference for scband-identity-loss-50534585205321 (READ-ONLY COPY).

The authoritative reference and input builder live on the scoring server;
editing this copy changes nothing except your own understanding.
"""

import jax, jax.numpy as jnp
import numpy as np


def setup_inputs(seed: int = 0) -> dict:
    key = jax.random.key(seed)
    k1, k2 = jax.random.split(key)
    logits = jax.random.normal(k1, (16384, 1000), dtype=jnp.float32)
    y = jax.random.randint(k2, (16384,), 0, 1000, dtype=jnp.int64 if jax.config.jax_enable_x64 else jnp.int32)
    return {"logits": logits, "y": y}


def reference(logits, y):
    # IdentityLoss.forward: logits.gather(1, y.view(-1,1)).flatten()
    return jnp.take_along_axis(logits, y.reshape(-1, 1), axis=1).ravel()

if __name__ == "__main__":
    import jax
    _d = setup_inputs()
    print(jax.jit(kernel)(*tuple(_d.values())))

</pallas_src>

<mosaic_0001>
#map = affine_map<(d0, d1) -> (0)>
#map1 = affine_map<(d0, d1) -> (0, 0)>
module attributes {stable_mosaic.version = 14 : i64} {
  func.func @_gather_body(%arg0: i32, %arg1: i32, %arg2: memref<16384000xf32, #tpu.memory_space<hbm>>, %arg3: memref<128x128xi32, #tpu.memory_space<hbm>>, %arg4: memref<128x128xf32, #tpu.memory_space<hbm>>, %arg5: memref<4x128xi32, #tpu.memory_space<vmem>>, %arg6: memref<4x128xi32, #tpu.memory_space<vmem>>, %arg7: memref<4x128xf32, #tpu.memory_space<vmem>>, %arg8: memref<!tpu.dma_semaphore, #tpu.memory_space<semaphore_mem>>) attributes {dimension_semantics = [#tpu.dimension_semantics<core_parallel>, #tpu.dimension_semantics<subcore_parallel>], iteration_bounds = array<i64: 2, 16>, scalar_prefetch = 0 : i64, scratch_operands = 4 : i64, tpu.core_type = #tpu.core_type<sc_vector_subcore>, window_params = [{transform_indices = #map}, {transform_indices = #map1}, {transform_indices = #map1}]} {
    %mul3A = arith.constant 2 : i32
    %mul3A_0 = arith.muli %arg1, %mul3A : i32
    %add3A = arith.addi %mul3A_0, %arg0 : i32
    %mul3A_1 = arith.constant 4 : i32
    %mul3A_2 = arith.muli %add3A, %mul3A_1 : i32
    "tpu.region"() ({
      %run_scoped3A = tpu.sem_alloc : memref<!tpu.dma_semaphore, #tpu.memory_space<semaphore_mem>>
      %dma_start3A_1140 = arith.constant 0 : i32
      %dma_start3A_1141 = tpu.memref_slice %arg3[%mul3A_2, %dma_start3A_1140] : memref<128x128xi32, #tpu.memory_space<hbm>> -> memref<4x128xi32, #tpu.memory_space<hbm>>
      %dma_start3A_1142 = arith.constant 0 : i32
      %dma_start3A_1143 = tpu.memref_slice %arg3[%mul3A_2, %dma_start3A_1142] : memref<128x128xi32, #tpu.memory_space<hbm>> -> memref<4x128xi32, #tpu.memory_space<hbm>>
      tpu.enqueue_dma source(%dma_start3A_1143 : memref<4x128xi32, #tpu.memory_space<hbm>>) target(%arg5 : memref<4x128xi32, #tpu.memory_space<vmem>>) target_semaphore(%run_scoped3A : memref<!tpu.dma_semaphore, #tpu.memory_space<semaphore_mem>>)
      %dma_wait3A_1144 = arith.constant 0 : i32
      %dma_wait3A_1145 = tpu.memref_slice %arg3[%mul3A_2, %dma_wait3A_1144] : memref<128x128xi32, #tpu.memory_space<hbm>> -> memref<4x128xi32, #tpu.memory_space<hbm>>
      %dma_wait3A_1146 = arith.constant 0 : i32
      %dma_wait3A_1147 = tpu.memref_slice %arg3[%mul3A_2, %dma_wait3A_1146] : memref<128x128xi32, #tpu.memory_space<hbm>> -> memref<4x128xi32, #tpu.memory_space<hbm>>
      tpu.wait_dma2 semaphore(%run_scoped3A : memref<!tpu.dma_semaphore, #tpu.memory_space<semaphore_mem>>) src(%dma_wait3A_1147 : memref<4x128xi32, #tpu.memory_space<hbm>>) dst(%arg5 : memref<4x128xi32, #tpu.memory_space<vmem>>)
      tpu.yield
    }) : () -> ()
    %add3A_3 = arith.constant 0 : i32
    %add3A_4 = arith.addi %mul3A_2, %add3A_3 : i32
    %get3A = arith.constant 0 : i32
    %get3A_5 = arith.index_cast %get3A : i32 to index
    %get3A_6 = arith.constant 0 : index
    %get3A_7 = tpu.vector_load %arg5[%get3A_5, %get3A_6] {strides = array<i32>} : memref<4x128xi32, #tpu.memory_space<vmem>>, vector<1x16xi32>,
    %get3A_8 = vector.shape_cast %get3A_7 : vector<1x16xi32> to vector<16xi32>
    %iota3A = tpu.iota {dimensions = array<i32: 0>} : vector<16xi32>
    %add3A_9 = arith.constant 0 : i32
    %add3A_10 = vector.broadcast %add3A_9 : i32 to vector<16xi32>
    %add3A_11 = arith.addi %add3A_10, %iota3A : vector<16xi32>
    %shift_right_arithmetic3A = arith.constant 3 : i32
    %shift_right_arithmetic3A_12 = vector.broadcast %shift_right_arithmetic3A : i32 to vector<16xi32>
    %shift_right_arithmetic3A_13 = arith.shrsi %get3A_8, %shift_right_arithmetic3A_12 : vector<16xi32>
    %mul3A_14 = arith.constant 131072 : i32
    %mul3A_15 = vector.broadcast %mul3A_14 : i32 to vector<16xi32>
    %mul3A_16 = arith.muli %shift_right_arithmetic3A_13, %mul3A_15 : vector<16xi32>
    %mul3A_17 = arith.constant 1024 : i32
    %mul3A_18 = arith.muli %add3A_4, %mul3A_17 : i32
    %add3A_19 = vector.broadcast %mul3A_18 : i32 to vector<16xi32>
    %add3A_20 = arith.addi %mul3A_16, %add3A_19 : vector<16xi32>
    %and3A = arith.constant 7 : i32
    %and3A_21 = vector.broadcast %and3A : i32 to vector<16xi32>
    %and3A_22 = arith.andi %get3A_8, %and3A_21 : vector<16xi32>
    %mul3A_23 = arith.constant 128 : i32
    %mul3A_24 = vector.broadcast %mul3A_23 : i32 to vector<16xi32>
    %mul3A_25 = arith.muli %and3A_22, %mul3A_24 : vector<16xi32>
    %add3A_26 = arith.addi %add3A_20, %mul3A_25 : vector<16xi32>
    %add3A_27 = arith.addi %add3A_26, %add3A_11 : vector<16xi32>
    %swap3A = arith.constant 0 : i32
    %swap3A_28 = arith.index_cast %swap3A : i32 to index
    %swap3A_29 = arith.constant 0 : index
    %swap3A_30 = tpu.vector_load %arg6[%swap3A_28, %swap3A_29] {strides = array<i32>} : memref<4x128xi32, #tpu.memory_space<vmem>>, vector<1x16xi32>,
    %swap3A_31 = vector.shape_cast %swap3A_30 : vector<1x16xi32> to vector<16xi32>
    %swap3A_32 = vector.shape_cast %add3A_27 : vector<16xi32> to vector<1x16xi32>
    tpu.vector_store %arg6[%swap3A_28, %swap3A_29], %swap3A_32 {strides = array<i32>} : memref<4x128xi32, #tpu.memory_space<vmem>>, vector<1x16xi32>,
    %get3A_33 = arith.constant 0 : i32
    %get3A_34 = arith.index_cast %get3A_33 : i32 to index
    %get3A_35 = arith.constant 16 : index
    %get3A_36 = tpu.vector_load %arg5[%get3A_34, %get3A_35] {strides = array<i32>} : memref<4x128xi32, #tpu.memory_space<vmem>>, vector<1x16xi32>,
    %get3A_37 = vector.shape_cast %get3A_36 : vector<1x16xi32> to vector<16xi32>
    %iota3A_38 = tpu.iota {dimensions = array<i32: 0>} : vector<16xi32>
    %add3A_39 = arith.constant 16 : i32
    %add3A_40 = vector.broadcast %add3A_39 : i32 to vector<16xi32>
    %add3A_41 = arith.addi %add3A_40, %iota3A_38 : vector<16xi32>
    %shift_right_arithmetic3A_42 = arith.constant 3 : i32
    %shift_right_arithmetic3A_43 = vector.broadcast %shift_right_arithmetic3A_42 : i32 to vector<16xi32>
    %shift_right_arithmetic3A_44 = arith.shrsi %get3A_37, %shift_right_arithmetic3A_43 : vector<16xi32>
    %mul3A_45 = arith.constant 131072 : i32
    %mul3A_46 = vector.broadcast %mul3A_45 : i32 to vector<16xi32>
    %mul3A_47 = arith.muli %shift_right_arithmetic3A_44, %mul3A_46 : vector<16xi32>
    %mul3A_48 = arith.constant 1024 : i32
    %mul3A_49 = arith.muli %add3A_4, %mul3A_48 : i32
    %add3A_50 = vector.broadcast %mul3A_49 : i32 to vector<16xi32>
    %add3A_51 = arith.addi %mul3A_47, %add3A_50 : vector<16xi32>
    %and3A_52 = arith.constant 7 : i32
    %and3A_53 = vector.broadcast %and3A_52 : i32 to vector<16xi32>
    %and3A_54 = arith.andi %get3A_37, %and3A_53 : vector<16xi32>
    %mul3A_55 = arith.constant 128 : i32
    %mul3A_56 = vector.broadcast %mul3A_55 : i32 to vector<16xi32>
    %mul3A_57 = arith.muli %and3A_54, %mul3A_56 : vector<16xi32>
    %add3A_58 = arith.addi %add3A_51, %mul3A_57 : vector<16xi32>
    %add3A_59 = arith.addi %add3A_58, %add3A_41 : vector<16xi32>
    %swap3A_60 = arith.constant 0 : i32
    %swap3A_61 = arith.index_cast %swap3A_60 : i32 to index
    %swap3A_62 = arith.constant 16 : index
    %swap3A_63 = tpu.vector_load %arg6[%swap3A_61, %swap3A_62] {strides = array<i32>} : memref<4x128xi32, #tpu.memory_space<vmem>>, vector<1x16xi32>,
    %swap3A_64 = vector.shape_cast %swap3A_63 : vector<1x16xi32> to vector<16xi32>
    %swap3A_65 = vector.shape_cast %add3A_59 : vector<16xi32> to vector<1x16xi32>
    tpu.vector_store %arg6[%swap3A_61, %swap3A_62], %swap3A_65 {strides = array<i32>} : memref<4x128xi32, #tpu.memory_space<vmem>>, vector<1x16xi32>,
    %get3A_66 = arith.constant 0 : i32
    %get3A_67 = arith.index_cast %get3A_66 : i32 to index
    %get3A_68 = arith.constant 32 : index
    %get3A_69 = tpu.vector_load %arg5[%get3A_67, %get3A_68] {strides = array<i32>} : memref<4x128xi32, #tpu.memory_space<vmem>>, vector<1x16xi32>,
    %get3A_70 = vector.shape_cast %get3A_69 : vector<1x16xi32> to vector<16xi32>
    %iota3A_71 = tpu.iota {dimensions = array<i32: 0>} : vector<16xi32>
    %add3A_72 = arith.constant 32 : i32
    %add3A_73 = vector.broadcast %add3A_72 : i32 to vector<16xi32>
    %add3A_74 = arith.addi %add3A_73, %iota3A_71 : vector<16xi32>
    %shift_right_arithmetic3A_75 = arith.constant 3 : i32
    %shift_right_arithmetic3A_76 = vector.broadcast %shift_right_arithmetic3A_75 : i32 to vector<16xi32>
    %shift_right_arithmetic3A_77 = arith.shrsi %get3A_70, %shift_right_arithmetic3A_76 : vector<16xi32>
    %mul3A_78 = arith.constant 131072 : i32
    %mul3A_79 = vector.broadcast %mul3A_78 : i32 to vector<16xi32>
    %mul3A_80 = arith.muli %shift_right_arithmetic3A_77, %mul3A_79 : vector<16xi32>
    %mul3A_81 = arith.constant 1024 : i32
    %mul3A_82 = arith.muli %add3A_4, %mul3A_81 : i32
    %add3A_83 = vector.broadcast %mul3A_82 : i32 to vector<16xi32>
    %add3A_84 = arith.addi %mul3A_80, %add3A_83 : vector<16xi32>
    %and3A_85 = arith.constant 7 : i32
    %and3A_86 = vector.broadcast %and3A_85 : i32 to vector<16xi32>
    %and3A_87 = arith.andi %get3A_70, %and3A_86 : vector<16xi32>
    %mul3A_88 = arith.constant 128 : i32
    %mul3A_89 = vector.broadcast %mul3A_88 : i32 to vector<16xi32>
    %mul3A_90 = arith.muli %and3A_87, %mul3A_89 : vector<16xi32>
    %add3A_91 = arith.addi %add3A_84, %mul3A_90 : vector<16xi32>
    %add3A_92 = arith.addi %add3A_91, %add3A_74 : vector<16xi32>
    %swap3A_93 = arith.constant 0 : i32
    %swap3A_94 = arith.index_cast %swap3A_93 : i32 to index
    %swap3A_95 = arith.constant 32 : index
    %swap3A_96 = tpu.vector_load %arg6[%swap3A_94, %swap3A_95] {strides = array<i32>} : memref<4x128xi32, #tpu.memory_space<vmem>>, vector<1x16xi32>,
    %swap3A_97 = vector.shape_cast %swap3A_96 : vector<1x16xi32> to vector<16xi32>
    %swap3A_98 = vector.shape_cast %add3A_92 : vector<16xi32> to vector<1x16xi32>
    tpu.vector_store %arg6[%swap3A_94, %swap3A_95], %swap3A_98 {strides = array<i32>} : memref<4x128xi32, #tpu.memory_space<vmem>>, vector<1x16xi32>,
    %get3A_99 = arith.constant 0 : i32
    %get3A_100 = arith.index_cast %get3A_99 : i32 to index
    %get3A_101 = arith.constant 48 : index
    %get3A_102 = tpu.vector_load %arg5[%get3A_100, %get3A_101] {strides = array<i32>} : memref<4x128xi32, #tpu.memory_space<vmem>>, vector<1x16xi32>,
    %get3A_103 = vector.shape_cast %get3A_102 : vector<1x16xi32> to vector<16xi32>
    %iota3A_104 = tpu.iota {dimensions = array<i32: 0>} : vector<16xi32>
    %add3A_105 = arith.constant 48 : i32
    %add3A_106 = vector.broadcast %add3A_105 : i32 to vector<16xi32>
    %add3A_107 = arith.addi %add3A_106, %iota3A_104 : vector<16xi32>
    %shift_right_arithmetic3A_108 = arith.constant 3 : i32
    %shift_right_arithmetic3A_109 = vector.broadcast %shift_right_arithmetic3A_108 : i32 to vector<16xi32>
    %shift_right_arithmetic3A_110 = arith.shrsi %get3A_103, %shift_right_arithmetic3A_109 : vector<16xi32>
    %mul3A_111 = arith.constant 131072 : i32
    %mul3A_112 = vector.broadcast %mul3A_111 : i32 to vector<16xi32>
    %mul3A_113 = arith.muli %shift_right_arithmetic3A_110, %mul3A_112 : vector<16xi32>
    %mul3A_114 = arith.constant 1024 : i32
    %mul3A_115 = arith.muli %add3A_4, %mul3A_114 : i32
    %add3A_116 = vector.broadcast %mul3A_115 : i32 to vector<16xi32>
    %add3A_117 = arith.addi %mul3A_113, %add3A_116 : vector<16xi32>
    %and3A_118 = arith.constant 7 : i32
    %and3A_119 = vector.broadcast %and3A_118 : i32 to vector<16xi32>
    %and3A_120 = arith.andi %get3A_103, %and3A_119 : vector<16xi32>
    %mul3A_121 = arith.constant 128 : i32
    %mul3A_122 = vector.broadcast %mul3A_121 : i32 to vector<16xi32>
    %mul3A_123 = arith.muli %and3A_120, %mul3A_122 : vector<16xi32>
    %add3A_124 = arith.addi %add3A_117, %mul3A_123 : vector<16xi32>
    %add3A_125 = arith.addi %add3A_124, %add3A_107 : vector<16xi32>
    %swap3A_126 = arith.constant 0 : i32
    %swap3A_127 = arith.index_cast %swap3A_126 : i32 to index
    %swap3A_128 = arith.constant 48 : index
    %swap3A_129 = tpu.vector_load %arg6[%swap3A_127, %swap3A_128] {strides = array<i32>} : memref<4x128xi32, #tpu.memory_space<vmem>>, vector<1x16xi32>,
    %swap3A_130 = vector.shape_cast %swap3A_129 : vector<1x16xi32> to vector<16xi32>
    %swap3A_131 = vector.shape_cast %add3A_125 : vector<16xi32> to vector<1x16xi32>
    tpu.vector_store %arg6[%swap3A_127, %swap3A_128], %swap3A_131 {strides = array<i32>} : memref<4x128xi32, #tpu.memory_space<vmem>>, vector<1x16xi32>,
    %get3A_132 = arith.constant 0 : i32
    %get3A_133 = arith.index_cast %get3A_132 : i32 to index
    %get3A_134 = arith.constant 64 : index
    %get3A_135 = tpu.vector_load %arg5[%get3A_133, %get3A_134] {strides = array<i32>} : memref<4x128xi32, #tpu.memory_space<vmem>>, vector<1x16xi32>,
    %get3A_136 = vector.shape_cast %get3A_135 : vector<1x16xi32> to vector<16xi32>
    %iota3A_137 = tpu.iota {dimensions = array<i32: 0>} : vector<16xi32>
    %add3A_138 = arith.constant 64 : i32
    %add3A_139 = vector.broadcast %add3A_138 : i32 to vector<16xi32>
    %add3A_140 = arith.addi %add3A_139, %iota3A_137 : vector<16xi32>
    %shift_right_arithmetic3A_141 = arith.constant 3 : i32
    %shift_right_arithmetic3A_142 = vector.broadcast %shift_right_arithmetic3A_141 : i32 to vector<16xi32>
    %shift_right_arithmetic3A_143 = arith.shrsi %get3A_136, %shift_right_arithmetic3A_142 : vector<16xi32>
    %mul3A_144 = arith.constant 131072 : i32
    %mul3A_145 = vector.broadcast %mul3A_144 : i32 to vector<16xi32>
    %mul3A_146 = arith.muli %shift_right_arithmetic3A_143, %mul3A_145 : vector<16xi32>
    %mul3A_147 = arith.constant 1024 : i32
    %mul3A_148 = arith.muli %add3A_4, %mul3A_147 : i32
    %add3A_149 = vector.broadcast %mul3A_148 : i32 to vector<16xi32>
    %add3A_150 = arith.addi %mul3A_146, %add3A_149 : vector<16xi32>
    %and3A_151 = arith.constant 7 : i32
    %and3A_152 = vector.broadcast %and3A_151 : i32 to vector<16xi32>
    %and3A_153 = arith.andi %get3A_136, %and3A_152 : vector<16xi32>
    %mul3A_154 = arith.constant 128 : i32
    %mul3A_155 = vector.broadcast %mul3A_154 : i32 to vector<16xi32>
    %mul3A_156 = arith.muli %and3A_153, %mul3A_155 : vector<16xi32>
    %add3A_157 = arith.addi %add3A_150, %mul3A_156 : vector<16xi32>
    %add3A_158 = arith.addi %add3A_157, %add3A_140 : vector<16xi32>
    %swap3A_159 = arith.constant 0 : i32
    %swap3A_160 = arith.index_cast %swap3A_159 : i32 to index
    %swap3A_161 = arith.constant 64 : index
    %swap3A_162 = tpu.vector_load %arg6[%swap3A_160, %swap3A_161] {strides = array<i32>} : memref<4x128xi32, #tpu.memory_space<vmem>>, vector<1x16xi32>,
    %swap3A_163 = vector.shape_cast %swap3A_162 : vector<1x16xi32> to vector<16xi32>
    %swap3A_164 = vector.shape_cast %add3A_158 : vector<16xi32> to vector<1x16xi32>
    tpu.vector_store %arg6[%swap3A_160, %swap3A_161], %swap3A_164 {strides = array<i32>} : memref<4x128xi32, #tpu.memory_space<vmem>>, vector<1x16xi32>,
    %get3A_165 = arith.constant 0 : i32
    %get3A_166 = arith.index_cast %get3A_165 : i32 to index
    %get3A_167 = arith.constant 80 : index
    %get3A_168 = tpu.vector_load %arg5[%get3A_166, %get3A_167] {strides = array<i32>} : memref<4x128xi32, #tpu.memory_space<vmem>>, vector<1x16xi32>,
    %get3A_169 = vector.shape_cast %get3A_168 : vector<1x16xi32> to vector<16xi32>
    %iota3A_170 = tpu.iota {dimensions = array<i32: 0>} : vector<16xi32>
    %add3A_171 = arith.constant 80 : i32
    %add3A_172 = vector.broadcast %add3A_171 : i32 to vector<16xi32>
    %add3A_173 = arith.addi %add3A_172, %iota3A_170 : vector<16xi32>
    %shift_right_arithmetic3A_174 = arith.constant 3 : i32
    %shift_right_arithmetic3A_175 = vector.broadcast %shift_right_arithmetic3A_174 : i32 to vector<16xi32>
    %shift_right_arithmetic3A_176 = arith.shrsi %get3A_169, %shift_right_arithmetic3A_175 : vector<16xi32>
    %mul3A_177 = arith.constant 131072 : i32
    %mul3A_178 = vector.broadcast %mul3A_177 : i32 to vector<16xi32>
    %mul3A_179 = arith.muli %shift_right_arithmetic3A_176, %mul3A_178 : vector<16xi32>
    %mul3A_180 = arith.constant 1024 : i32
    %mul3A_181 = arith.muli %add3A_4, %mul3A_180 : i32
    %add3A_182 = vector.broadcast %mul3A_181 : i32 to vector<16xi32>
    %add3A_183 = arith.addi %mul3A_179, %add3A_182 : vector<16xi32>
    %and3A_184 = arith.constant 7 : i32
    %and3A_185 = vector.broadcast %and3A_184 : i32 to vector<16xi32>
    %and3A_186 = arith.andi %get3A_169, %and3A_185 : vector<16xi32>
    %mul3A_187 = arith.constant 128 : i32
    %mul3A_188 = vector.broadcast %mul3A_187 : i32 to vector<16xi32>
    %mul3A_189 = arith.muli %and3A_186, %mul3A_188 : vector<16xi32>
    %add3A_190 = arith.addi %add3A_183, %mul3A_189 : vector<16xi32>
    %add3A_191 = arith.addi %add3A_190, %add3A_173 : vector<16xi32>
    %swap3A_192 = arith.constant 0 : i32
    %swap3A_193 = arith.index_cast %swap3A_192 : i32 to index
    %swap3A_194 = arith.constant 80 : index
    %swap3A_195 = tpu.vector_load %arg6[%swap3A_193, %swap3A_194] {strides = array<i32>} : memref<4x128xi32, #tpu.memory_space<vmem>>, vector<1x16xi32>,
    %swap3A_196 = vector.shape_cast %swap3A_195 : vector<1x16xi32> to vector<16xi32>
    %swap3A_197 = vector.shape_cast %add3A_191 : vector<16xi32> to vector<1x16xi32>
    tpu.vector_store %arg6[%swap3A_193, %swap3A_194], %swap3A_197 {strides = array<i32>} : memref<4x128xi32, #tpu.memory_space<vmem>>, vector<1x16xi32>,
    %get3A_198 = arith.constant 0 : i32
    %get3A_199 = arith.index_cast %get3A_198 : i32 to index
    %get3A_200 = arith.constant 96 : index
    %get3A_201 = tpu.vector_load %arg5[%get3A_199, %get3A_200] {strides = array<i32>} : memref<4x128xi32, #tpu.memory_space<vmem>>, vector<1x16xi32>,
    %get3A_202 = vector.shape_cast %get3A_201 : vector<1x16xi32> to vector<16xi32>
    %iota3A_203 = tpu.iota {dimensions = array<i32: 0>} : vector<16xi32>
    %add3A_204 = arith.constant 96 : i32
    %add3A_205 = vector.broadcast %add3A_204 : i32 to vector<16xi32>
    %add3A_206 = arith.addi %add3A_205, %iota3A_203 : vector<16xi32>
    %shift_right_arithmetic3A_207 = arith.constant 3 : i32
    %shift_right_arithmetic3A_208 = vector.broadcast %shift_right_arithmetic3A_207 : i32 to vector<16xi32>
    %shift_right_arithmetic3A_209 = arith.shrsi %get3A_202, %shift_right_arithmetic3A_208 : vector<16xi32>
    %mul3A_210 = arith.constant 131072 : i32
    %mul3A_211 = vector.broadcast %mul3A_210 : i32 to vector<16xi32>
    %mul3A_212 = arith.muli %shift_right_arithmetic3A_209, %mul3A_211 : vector<16xi32>
    %mul3A_213 = arith.constant 1024 : i32
    %mul3A_214 = arith.muli %add3A_4, %mul3A_213 : i32
    %add3A_215 = vector.broadcast %mul3A_214 : i32 to vector<16xi32>
    %add3A_216 = arith.addi %mul3A_212, %add3A_215 : vector<16xi32>
    %and3A_217 = arith.constant 7 : i32
    %and3A_218 = vector.broadcast %and3A_217 : i32 to vector<16xi32>
    %and3A_219 = arith.andi %get3A_202, %and3A_218 : vector<16xi32>
    %mul3A_220 = arith.constant 128 : i32
    %mul3A_221 = vector.broadcast %mul3A_220 : i32 to vector<16xi32>
    %mul3A_222 = arith.muli %and3A_219, %mul3A_221 : vector<16xi32>
    %add3A_223 = arith.addi %add3A_216, %mul3A_222 : vector<16xi32>
    %add3A_224 = arith.addi %add3A_223, %add3A_206 : vector<16xi32>
    %swap3A_225 = arith.constant 0 : i32
    %swap3A_226 = arith.index_cast %swap3A_225 : i32 to index
    %swap3A_227 = arith.constant 96 : index
    %swap3A_228 = tpu.vector_load %arg6[%swap3A_226, %swap3A_227] {strides = array<i32>} : memref<4x128xi32, #tpu.memory_space<vmem>>, vector<1x16xi32>,
    %swap3A_229 = vector.shape_cast %swap3A_228 : vector<1x16xi32> to vector<16xi32>
    %swap3A_230 = vector.shape_cast %add3A_224 : vector<16xi32> to vector<1x16xi32>
    tpu.vector_store %arg6[%swap3A_226, %swap3A_227], %swap3A_230 {strides = array<i32>} : memref<4x128xi32, #tpu.memory_space<vmem>>, vector<1x16xi32>,
    %get3A_231 = arith.constant 0 : i32
    %get3A_232 = arith.index_cast %get3A_231 : i32 to index
    %get3A_233 = arith.constant 112 : index
    %get3A_234 = tpu.vector_load %arg5[%get3A_232, %get3A_233] {strides = array<i32>} : memref<4x128xi32, #tpu.memory_space<vmem>>, vector<1x16xi32>,
    %get3A_235 = vector.shape_cast %get3A_234 : vector<1x16xi32> to vector<16xi32>
    %iota3A_236 = tpu.iota {dimensions = array<i32: 0>} : vector<16xi32>
    %add3A_237 = arith.constant 112 : i32
    %add3A_238 = vector.broadcast %add3A_237 : i32 to vector<16xi32>
    %add3A_239 = arith.addi %add3A_238, %iota3A_236 : vector<16xi32>
    %shift_right_arithmetic3A_240 = arith.constant 3 : i32
    %shift_right_arithmetic3A_241 = vector.broadcast %shift_right_arithmetic3A_240 : i32 to vector<16xi32>
    %shift_right_arithmetic3A_242 = arith.shrsi %get3A_235, %shift_right_arithmetic3A_241 : vector<16xi32>
    %mul3A_243 = arith.constant 131072 : i32
    %mul3A_244 = vector.broadcast %mul3A_243 : i32 to vector<16xi32>
    %mul3A_245 = arith.muli %shift_right_arithmetic3A_242, %mul3A_244 : vector<16xi32>
    %mul3A_246 = arith.constant 1024 : i32
    %mul3A_247 = arith.muli %add3A_4, %mul3A_246 : i32
    %add3A_248 = vector.broadcast %mul3A_247 : i32 to vector<16xi32>
    %add3A_249 = arith.addi %mul3A_245, %add3A_248 : vector<16xi32>
    %and3A_250 = arith.constant 7 : i32
    %and3A_251 = vector.broadcast %and3A_250 : i32 to vector<16xi32>
    %and3A_252 = arith.andi %get3A_235, %and3A_251 : vector<16xi32>
    %mul3A_253 = arith.constant 128 : i32
    %mul3A_254 = vector.broadcast %mul3A_253 : i32 to vector<16xi32>
    %mul3A_255 = arith.muli %and3A_252, %mul3A_254 : vector<16xi32>
    %add3A_256 = arith.addi %add3A_249, %mul3A_255 : vector<16xi32>
    %add3A_257 = arith.addi %add3A_256, %add3A_239 : vector<16xi32>
    %swap3A_258 = arith.constant 0 : i32
    %swap3A_259 = arith.index_cast %swap3A_258 : i32 to index
    %swap3A_260 = arith.constant 112 : index
    %swap3A_261 = tpu.vector_load %arg6[%swap3A_259, %swap3A_260] {strides = array<i32>} : memref<4x128xi32, #tpu.memory_space<vmem>>, vector<1x16xi32>,
    %swap3A_262 = vector.shape_cast %swap3A_261 : vector<1x16xi32> to vector<16xi32>
    %swap3A_263 = vector.shape_cast %add3A_257 : vector<16xi32> to vector<1x16xi32>
    tpu.vector_store %arg6[%swap3A_259, %swap3A_260], %swap3A_263 {strides = array<i32>} : memref<4x128xi32, #tpu.memory_space<vmem>>, vector<1x16xi32>,
    %dma_start3A = arith.constant 0 : i32
    %dma_start3A_264 = arith.constant 0 : i32
    %dma_start3A_265 = arith.constant 0 : i32
    %dma_start3A_266 = tpu.memref_slice %arg7[%dma_start3A_264, %dma_start3A_265] : memref<4x128xf32, #tpu.memory_space<vmem>> -> memref<1x128xf32, #tpu.memory_space<vmem>>
    %dma_start3A_267 = tpu.memref_squeeze %dma_start3A_266 : memref<1x128xf32, #tpu.memory_space<vmem>> -> memref<128xf32, #tpu.memory_space<vmem>>
    %dma_start3A_268 = arith.constant 0 : i32
    %dma_start3A_269 = tpu.memref_slice %arg6[%dma_start3A, %dma_start3A_268] : memref<4x128xi32, #tpu.memory_space<vmem>> -> memref<1x128xi32, #tpu.memory_space<vmem>>
    %dma_start3A_270 = tpu.memref_squeeze %dma_start3A_269 : memref<1x128xi32, #tpu.memory_space<vmem>> -> memref<128xi32, #tpu.memory_space<vmem>>
    %dma_start3A_271 = arith.constant 0 : i32
    %dma_start3A_272 = tpu.memref_slice %arg2[%dma_start3A_271] : memref<16384000xf32, #tpu.memory_space<hbm>> -> memref<16384000xf32, #tpu.memory_space<hbm>>
    tpu.enqueue_indirect_dma source(%dma_start3A_272 : memref<16384000xf32, #tpu.memory_space<hbm>>) target(%dma_start3A_267 : memref<128xf32, #tpu.memory_space<vmem>>) offsets(%dma_start3A_270 : memref<128xi32, #tpu.memory_space<vmem>>) semaphore(%arg8 : memref<!tpu.dma_semaphore, #tpu.memory_space<semaphore_mem>>)
    %add3A_273 = arith.constant 1 : i32
    %add3A_274 = arith.addi %mul3A_2, %add3A_273 : i32
    %get3A_275 = arith.constant 1 : i32
    %get3A_276 = arith.index_cast %get3A_275 : i32 to index
    %get3A_277 = arith.constant 0 : index
    %get3A_278 = tpu.vector_load %arg5[%get3A_276, %get3A_277] {strides = array<i32>} : memref<4x128xi32, #tpu.memory_space<vmem>>, vector<1x16xi32>,
    %get3A_279 = vector.shape_cast %get3A_278 : vector<1x16xi32> to vector<16xi32>
    %iota3A_280 = tpu.iota {dimensions = array<i32: 0>} : vector<16xi32>
    %add3A_281 = arith.constant 0 : i32
    %add3A_282 = vector.broadcast %add3A_281 : i32 to vector<16xi32>
    %add3A_283 = arith.addi %add3A_282, %iota3A_280 : vector<16xi32>
    %shift_right_arithmetic3A_284 = arith.constant 3 : i32
    %shift_right_arithmetic3A_285 = vector.broadcast %shift_right_arithmetic3A_284 : i32 to vector<16xi32>
    %shift_right_arithmetic3A_286 = arith.shrsi %get3A_279, %shift_right_arithmetic3A_285 : vector<16xi32>
    %mul3A_287 = arith.constant 131072 : i32
    %mul3A_288 = vector.broadcast %mul3A_287 : i32 to vector<16xi32>
    %mul3A_289 = arith.muli %shift_right_arithmetic3A_286, %mul3A_288 : vector<16xi32>
    %mul3A_290 = arith.constant 1024 : i32
    %mul3A_291 = arith.muli %add3A_274, %mul3A_290 : i32
    %add3A_292 = vector.broadcast %mul3A_291 : i32 to vector<16xi32>
    %add3A_293 = arith.addi %mul3A_289, %add3A_292 : vector<16xi32>
    %and3A_294 = arith.constant 7 : i32
    %and3A_295 = vector.broadcast %and3A_294 : i32 to vector<16xi32>
    %and3A_296 = arith.andi %get3A_279, %and3A_295 : vector<16xi32>
    %mul3A_297 = arith.constant 128 : i32
    %mul3A_298 = vector.broadcast %mul3A_297 : i32 to vector<16xi32>
    %mul3A_299 = arith.muli %and3A_296, %mul3A_298 : vector<16xi32>
    %add3A_300 = arith.addi %add3A_293, %mul3A_299 : vector<16xi32>
    %add3A_301 = arith.addi %add3A_300, %add3A_283 : vector<16xi32>
    %swap3A_302 = arith.constant 1 : i32
    %swap3A_303 = arith.index_cast %swap3A_302 : i32 to index
    %swap3A_304 = arith.constant 0 : index
    %swap3A_305 = tpu.vector_load %arg6[%swap3A_303, %swap3A_304] {strides = array<i32>} : memref<4x128xi32, #tpu.memory_space<vmem>>, vector<1x16xi32>,
    %swap3A_306 = vector.shape_cast %swap3A_305 : vector<1x16xi32> to vector<16xi32>
    %swap3A_307 = vector.shape_cast %add3A_301 : vector<16xi32> to vector<1x16xi32>
    tpu.vector_store %arg6[%swap3A_303, %swap3A_304], %swap3A_307 {strides = array<i32>} : memref<4x128xi32, #tpu.memory_space<vmem>>, vector<1x16xi32>,
    %get3A_308 = arith.constant 1 : i32
    %get3A_309 = arith.index_cast %get3A_308 : i32 to index
    %get3A_310 = arith.constant 16 : index
    %get3A_311 = tpu.vector_load %arg5[%get3A_309, %get3A_310] {strides = array<i32>} : memref<4x128xi32, #tpu.memory_space<vmem>>, vector<1x16xi32>,
    %get3A_312 = vector.shape_cast %get3A_311 : vector<1x16xi32> to vector<16xi32>
    %iota3A_313 = tpu.iota {dimensions = array<i32: 0>} : vector<16xi32>
    %add3A_314 = arith.constant 16 : i32
    %add3A_315 = vector.broadcast %add3A_314 : i32 to vector<16xi32>
    %add3A_316 = arith.addi %add3A_315, %iota3A_313 : vector<16xi32>
    %shift_right_arithmetic3A_317 = arith.constant 3 : i32
    %shift_right_arithmetic3A_318 = vector.broadcast %shift_right_arithmetic3A_317 : i32 to vector<16xi32>
    %shift_right_arithmetic3A_319 = arith.shrsi %get3A_312, %shift_right_arithmetic3A_318 : vector<16xi32>
    %mul3A_320 = arith.constant 131072 : i32
    %mul3A_321 = vector.broadcast %mul3A_320 : i32 to vector<16xi32>
    %mul3A_322 = arith.muli %shift_right_arithmetic3A_319, %mul3A_321 : vector<16xi32>
    %mul3A_323 = arith.constant 1024 : i32
    %mul3A_324 = arith.muli %add3A_274, %mul3A_323 : i32
    %add3A_325 = vector.broadcast %mul3A_324 : i32 to vector<16xi32>
    %add3A_326 = arith.addi %mul3A_322, %add3A_325 : vector<16xi32>
    %and3A_327 = arith.constant 7 : i32
    %and3A_328 = vector.broadcast %and3A_327 : i32 to vector<16xi32>
    %and3A_329 = arith.andi %get3A_312, %and3A_328 : vector<16xi32>
    %mul3A_330 = arith.constant 128 : i32
    %mul3A_331 = vector.broadcast %mul3A_330 : i32 to vector<16xi32>
    %mul3A_332 = arith.muli %and3A_329, %mul3A_331 : vector<16xi32>
    %add3A_333 = arith.addi %add3A_326, %mul3A_332 : vector<16xi32>
    %add3A_334 = arith.addi %add3A_333, %add3A_316 : vector<16xi32>
    %swap3A_335 = arith.constant 1 : i32
    %swap3A_336 = arith.index_cast %swap3A_335 : i32 to index
    %swap3A_337 = arith.constant 16 : index
    %swap3A_338 = tpu.vector_load %arg6[%swap3A_336, %swap3A_337] {strides = array<i32>} : memref<4x128xi32, #tpu.memory_space<vmem>>, vector<1x16xi32>,
    %swap3A_339 = vector.shape_cast %swap3A_338 : vector<1x16xi32> to vector<16xi32>
    %swap3A_340 = vector.shape_cast %add3A_334 : vector<16xi32> to vector<1x16xi32>
    tpu.vector_store %arg6[%swap3A_336, %swap3A_337], %swap3A_340 {strides = array<i32>} : memref<4x128xi32, #tpu.memory_space<vmem>>, vector<1x16xi32>,
    %get3A_341 = arith.constant 1 : i32
    %get3A_342 = arith.index_cast %get3A_341 : i32 to index
    %get3A_343 = arith.constant 32 : index
    %get3A_344 = tpu.vector_load %arg5[%get3A_342, %get3A_343] {strides = array<i32>} : memref<4x128xi32, #tpu.memory_space<vmem>>, vector<1x16xi32>,
    %get3A_345 = vector.shape_cast %get3A_344 : vector<1x16xi32> to vector<16xi32>
    %iota3A_346 = tpu.iota {dimensions = array<i32: 0>} : vector<16xi32>
    %add3A_347 = arith.constant 32 : i32
    %add3A_348 = vector.broadcast %add3A_347 : i32 to vector<16xi32>
    %add3A_349 = arith.addi %add3A_348, %iota3A_346 : vector<16xi32>
    %shift_right_arithmetic3A_350 = arith.constant 3 : i32
    %shift_right_arithmetic3A_351 = vector.broadcast %shift_right_arithmetic3A_350 : i32 to vector<16xi32>
    %shift_right_arithmetic3A_352 = arith.shrsi %get3A_345, %shift_right_arithmetic3A_351 : vector<16xi32>
    %mul3A_353 = arith.constant 131072 : i32
    %mul3A_354 = vector.broadcast %mul3A_353 : i32 to vector<16xi32>
    %mul3A_355 = arith.muli %shift_right_arithmetic3A_352, %mul3A_354 : vector<16xi32>
    %mul3A_356 = arith.constant 1024 : i32
    %mul3A_357 = arith.muli %add3A_274, %mul3A_356 : i32
    %add3A_358 = vector.broadcast %mul3A_357 : i32 to vector<16xi32>
    %add3A_359 = arith.addi %mul3A_355, %add3A_358 : vector<16xi32>
    %and3A_360 = arith.constant 7 : i32
    %and3A_361 = vector.broadcast %and3A_360 : i32 to vector<16xi32>
    %and3A_362 = arith.andi %get3A_345, %and3A_361 : vector<16xi32>
    %mul3A_363 = arith.constant 128 : i32
    %mul3A_364 = vector.broadcast %mul3A_363 : i32 to vector<16xi32>
    %mul3A_365 = arith.muli %and3A_362, %mul3A_364 : vector<16xi32>
    %add3A_366 = arith.addi %add3A_359, %mul3A_365 : vector<16xi32>
    %add3A_367 = arith.addi %add3A_366, %add3A_349 : vector<16xi32>
    %swap3A_368 = arith.constant 1 : i32
    %swap3A_369 = arith.index_cast %swap3A_368 : i32 to index
    %swap3A_370 = arith.constant 32 : index
    %swap3A_371 = tpu.vector_load %arg6[%swap3A_369, %swap3A_370] {strides = array<i32>} : memref<4x128xi32, #tpu.memory_space<vmem>>, vector<1x16xi32>,
    %swap3A_372 = vector.shape_cast %swap3A_371 : vector<1x16xi32> to vector<16xi32>
    %swap3A_373 = vector.shape_cast %add3A_367 : vector<16xi32> to vector<1x16xi32>
    tpu.vector_store %arg6[%swap3A_369, %swap3A_370], %swap3A_373 {strides = array<i32>} : memref<4x128xi32, #tpu.memory_space<vmem>>, vector<1x16xi32>,
    %get3A_374 = arith.constant 1 : i32
    %get3A_375 = arith.index_cast %get3A_374 : i32 to index
    %get3A_376 = arith.constant 48 : index
    %get3A_377 = tpu.vector_load %arg5[%get3A_375, %get3A_376] {strides = array<i32>} : memref<4x128xi32, #tpu.memory_space<vmem>>, vector<1x16xi32>,
    %get3A_378 = vector.shape_cast %get3A_377 : vector<1x16xi32> to vector<16xi32>
    %iota3A_379 = tpu.iota {dimensions = array<i32: 0>} : vector<16xi32>
    %add3A_380 = arith.constant 48 : i32
    %add3A_381 = vector.broadcast %add3A_380 : i32 to vector<16xi32>
    %add3A_382 = arith.addi %add3A_381, %iota3A_379 : vector<16xi32>
    %shift_right_arithmetic3A_383 = arith.constant 3 : i32
    %shift_right_arithmetic3A_384 = vector.broadcast %shift_right_arithmetic3A_383 : i32 to vector<16xi32>
    %shift_right_arithmetic3A_385 = arith.shrsi %get3A_378, %shift_right_arithmetic3A_384 : vector<16xi32>
    %mul3A_386 = arith.constant 131072 : i32
    %mul3A_387 = vector.broadcast %mul3A_386 : i32 to vector<16xi32>
    %mul3A_388 = arith.muli %shift_right_arithmetic3A_385, %mul3A_387 : vector<16xi32>
    %mul3A_389 = arith.constant 1024 : i32
    %mul3A_390 = arith.muli %add3A_274, %mul3A_389 : i32
    %add3A_391 = vector.broadcast %mul3A_390 : i32 to vector<16xi32>
    %add3A_392 = arith.addi %mul3A_388, %add3A_391 : vector<16xi32>
    %and3A_393 = arith.constant 7 : i32
    %and3A_394 = vector.broadcast %and3A_393 : i32 to vector<16xi32>
    %and3A_395 = arith.andi %get3A_378, %and3A_394 : vector<16xi32>
    %mul3A_396 = arith.constant 128 : i32
    %mul3A_397 = vector.broadcast %mul3A_396 : i32 to vector<16xi32>
    %mul3A_398 = arith.muli %and3A_395, %mul3A_397 : vector<16xi32>
    %add3A_399 = arith.addi %add3A_392, %mul3A_398 : vector<16xi32>
    %add3A_400 = arith.addi %add3A_399, %add3A_382 : vector<16xi32>
    %swap3A_401 = arith.constant 1 : i32
    %swap3A_402 = arith.index_cast %swap3A_401 : i32 to index
    %swap3A_403 = arith.constant 48 : index
    %swap3A_404 = tpu.vector_load %arg6[%swap3A_402, %swap3A_403] {strides = array<i32>} : memref<4x128xi32, #tpu.memory_space<vmem>>, vector<1x16xi32>,
    %swap3A_405 = vector.shape_cast %swap3A_404 : vector<1x16xi32> to vector<16xi32>
    %swap3A_406 = vector.shape_cast %add3A_400 : vector<16xi32> to vector<1x16xi32>
    tpu.vector_store %arg6[%swap3A_402, %swap3A_403], %swap3A_406 {strides = array<i32>} : memref<4x128xi32, #tpu.memory_space<vmem>>, vector<1x16xi32>,
    %get3A_407 = arith.constant 1 : i32
    %get3A_408 = arith.index_cast %get3A_407 : i32 to index
    %get3A_409 = arith.constant 64 : index
    %get3A_410 = tpu.vector_load %arg5[%get3A_408, %get3A_409] {strides = array<i32>} : memref<4x128xi32, #tpu.memory_space<vmem>>, vector<1x16xi32>,
    %get3A_411 = vector.shape_cast %get3A_410 : vector<1x16xi32> to vector<16xi32>
    %iota3A_412 = tpu.iota {dimensions = array<i32: 0>} : vector<16xi32>
    %add3A_413 = arith.constant 64 : i32
    %add3A_414 = vector.broadcast %add3A_413 : i32 to vector<16xi32>
    %add3A_415 = arith.addi %add3A_414, %iota3A_412 : vector<16xi32>
    %shift_right_arithmetic3A_416 = arith.constant 3 : i32
    %shift_right_arithmetic3A_417 = vector.broadcast %shift_right_arithmetic3A_416 : i32 to vector<16xi32>
    %shift_right_arithmetic3A_418 = arith.shrsi %get3A_411, %shift_right_arithmetic3A_417 : vector<16xi32>
    %mul3A_419 = arith.constant 131072 : i32
    %mul3A_420 = vector.broadcast %mul3A_419 : i32 to vector<16xi32>
    %mul3A_421 = arith.muli %shift_right_arithmetic3A_418, %mul3A_420 : vector<16xi32>
    %mul3A_422 = arith.constant 1024 : i32
    %mul3A_423 = arith.muli %add3A_274, %mul3A_422 : i32
    %add3A_424 = vector.broadcast %mul3A_423 : i32 to vector<16xi32>
    %add3A_425 = arith.addi %mul3A_421, %add3A_424 : vector<16xi32>
    %and3A_426 = arith.constant 7 : i32
    %and3A_427 = vector.broadcast %and3A_426 : i32 to vector<16xi32>
    %and3A_428 = arith.andi %get3A_411, %and3A_427 : vector<16xi32>
    %mul3A_429 = arith.constant 128 : i32
    %mul3A_430 = vector.broadcast %mul3A_429 : i32 to vector<16xi32>
    %mul3A_431 = arith.muli %and3A_428, %mul3A_430 : vector<16xi32>
    %add3A_432 = arith.addi %add3A_425, %mul3A_431 : vector<16xi32>
    %add3A_433 = arith.addi %add3A_432, %add3A_415 : vector<16xi32>
    %swap3A_434 = arith.constant 1 : i32
    %swap3A_435 = arith.index_cast %swap3A_434 : i32 to index
    %swap3A_436 = arith.constant 64 : index
    %swap3A_437 = tpu.vector_load %arg6[%swap3A_435, %swap3A_436] {strides = array<i32>} : memref<4x128xi32, #tpu.memory_space<vmem>>, vector<1x16xi32>,
    %swap3A_438 = vector.shape_cast %swap3A_437 : vector<1x16xi32> to vector<16xi32>
    %swap3A_439 = vector.shape_cast %add3A_433 : vector<16xi32> to vector<1x16xi32>
    tpu.vector_store %arg6[%swap3A_435, %swap3A_436], %swap3A_439 {strides = array<i32>} : memref<4x128xi32, #tpu.memory_space<vmem>>, vector<1x16xi32>,
    %get3A_440 = arith.constant 1 : i32
    %get3A_441 = arith.index_cast %get3A_440 : i32 to index
    %get3A_442 = arith.constant 80 : index
    %get3A_443 = tpu.vector_load %arg5[%get3A_441, %get3A_442] {strides = array<i32>} : memref<4x128xi32, #tpu.memory_space<vmem>>, vector<1x16xi32>,
    %get3A_444 = vector.shape_cast %get3A_443 : vector<1x16xi32> to vector<16xi32>
    %iota3A_445 = tpu.iota {dimensions = array<i32: 0>} : vector<16xi32>
    %add3A_446 = arith.constant 80 : i32
    %add3A_447 = vector.broadcast %add3A_446 : i32 to vector<16xi32>
    %add3A_448 = arith.addi %add3A_447, %iota3A_445 : vector<16xi32>
    %shift_right_arithmetic3A_449 = arith.constant 3 : i32
    %shift_right_arithmetic3A_450 = vector.broadcast %shift_right_arithmetic3A_449 : i32 to vector<16xi32>
    %shift_right_arithmetic3A_451 = arith.shrsi %get3A_444, %shift_right_arithmetic3A_450 : vector<16xi32>
    %mul3A_452 = arith.constant 131072 : i32
    %mul3A_453 = vector.broadcast %mul3A_452 : i32 to vector<16xi32>
    %mul3A_454 = arith.muli %shift_right_arithmetic3A_451, %mul3A_453 : vector<16xi32>
    %mul3A_455 = arith.constant 1024 : i32
    %mul3A_456 = arith.muli %add3A_274, %mul3A_455 : i32
    %add3A_457 = vector.broadcast %mul3A_456 : i32 to vector<16xi32>
    %add3A_458 = arith.addi %mul3A_454, %add3A_457 : vector<16xi32>
    %and3A_459 = arith.constant 7 : i32
    %and3A_460 = vector.broadcast %and3A_459 : i32 to vector<16xi32>
    %and3A_461 = arith.andi %get3A_444, %and3A_460 : vector<16xi32>
    %mul3A_462 = arith.constant 128 : i32
    %mul3A_463 = vector.broadcast %mul3A_462 : i32 to vector<16xi32>
    %mul3A_464 = arith.muli %and3A_461, %mul3A_463 : vector<16xi32>
    %add3A_465 = arith.addi %add3A_458, %mul3A_464 : vector<16xi32>
    %add3A_466 = arith.addi %add3A_465, %add3A_448 : vector<16xi32>
    %swap3A_467 = arith.constant 1 : i32
    %swap3A_468 = arith.index_cast %swap3A_467 : i32 to index
    %swap3A_469 = arith.constant 80 : index
    %swap3A_470 = tpu.vector_load %arg6[%swap3A_468, %swap3A_469] {strides = array<i32>} : memref<4x128xi32, #tpu.memory_space<vmem>>, vector<1x16xi32>,
    %swap3A_471 = vector.shape_cast %swap3A_470 : vector<1x16xi32> to vector<16xi32>
    %swap3A_472 = vector.shape_cast %add3A_466 : vector<16xi32> to vector<1x16xi32>
    tpu.vector_store %arg6[%swap3A_468, %swap3A_469], %swap3A_472 {strides = array<i32>} : memref<4x128xi32, #tpu.memory_space<vmem>>, vector<1x16xi32>,
    %get3A_473 = arith.constant 1 : i32
    %get3A_474 = arith.index_cast %get3A_473 : i32 to index
    %get3A_475 = arith.constant 96 : index
    %get3A_476 = tpu.vector_load %arg5[%get3A_474, %get3A_475] {strides = array<i32>} : memref<4x128xi32, #tpu.memory_space<vmem>>, vector<1x16xi32>,
    %get3A_477 = vector.shape_cast %get3A_476 : vector<1x16xi32> to vector<16xi32>
    %iota3A_478 = tpu.iota {dimensions = array<i32: 0>} : vector<16xi32>
    %add3A_479 = arith.constant 96 : i32
    %add3A_480 = vector.broadcast %add3A_479 : i32 to vector<16xi32>
    %add3A_481 = arith.addi %add3A_480, %iota3A_478 : vector<16xi32>
    %shift_right_arithmetic3A_482 = arith.constant 3 : i32
    %shift_right_arithmetic3A_483 = vector.broadcast %shift_right_arithmetic3A_482 : i32 to vector<16xi32>
    %shift_right_arithmetic3A_484 = arith.shrsi %get3A_477, %shift_right_arithmetic3A_483 : vector<16xi32>
    %mul3A_485 = arith.constant 131072 : i32
    %mul3A_486 = vector.broadcast %mul3A_485 : i32 to vector<16xi32>
    %mul3A_487 = arith.muli %shift_right_arithmetic3A_484, %mul3A_486 : vector<16xi32>
    %mul3A_488 = arith.constant 1024 : i32
    %mul3A_489 = arith.muli %add3A_274, %mul3A_488 : i32
    %add3A_490 = vector.broadcast %mul3A_489 : i32 to vector<16xi32>
    %add3A_491 = arith.addi %mul3A_487, %add3A_490 : vector<16xi32>
    %and3A_492 = arith.constant 7 : i32
    %and3A_493 = vector.broadcast %and3A_492 : i32 to vector<16xi32>
    %and3A_494 = arith.andi %get3A_477, %and3A_493 : vector<16xi32>
    %mul3A_495 = arith.constant 128 : i32
    %mul3A_496 = vector.broadcast %mul3A_495 : i32 to vector<16xi32>
    %mul3A_497 = arith.muli %and3A_494, %mul3A_496 : vector<16xi32>
    %add3A_498 = arith.addi %add3A_491, %mul3A_497 : vector<16xi32>
    %add3A_499 = arith.addi %add3A_498, %add3A_481 : vector<16xi32>
    %swap3A_500 = arith.constant 1 : i32
    %swap3A_501 = arith.index_cast %swap3A_500 : i32 to index
    %swap3A_502 = arith.constant 96 : index
    %swap3A_503 = tpu.vector_load %arg6[%swap3A_501, %swap3A_502] {strides = array<i32>} : memref<4x128xi32, #tpu.memory_space<vmem>>, vector<1x16xi32>,
    %swap3A_504 = vector.shape_cast %swap3A_503 : vector<1x16xi32> to vector<16xi32>
    %swap3A_505 = vector.shape_cast %add3A_499 : vector<16xi32> to vector<1x16xi32>
    tpu.vector_store %arg6[%swap3A_501, %swap3A_502], %swap3A_505 {strides = array<i32>} : memref<4x128xi32, #tpu.memory_space<vmem>>, vector<1x16xi32>,
    %get3A_506 = arith.constant 1 : i32
    %get3A_507 = arith.index_cast %get3A_506 : i32 to index
    %get3A_508 = arith.constant 112 : index
    %get3A_509 = tpu.vector_load %arg5[%get3A_507, %get3A_508] {strides = array<i32>} : memref<4x128xi32, #tpu.memory_space<vmem>>, vector<1x16xi32>,
    %get3A_510 = vector.shape_cast %get3A_509 : vector<1x16xi32> to vector<16xi32>
    %iota3A_511 = tpu.iota {dimensions = array<i32: 0>} : vector<16xi32>
    %add3A_512 = arith.constant 112 : i32
    %add3A_513 = vector.broadcast %add3A_512 : i32 to vector<16xi32>
    %add3A_514 = arith.addi %add3A_513, %iota3A_511 : vector<16xi32>
    %shift_right_arithmetic3A_515 = arith.constant 3 : i32
    %shift_right_arithmetic3A_516 = vector.broadcast %shift_right_arithmetic3A_515 : i32 to vector<16xi32>
    %shift_right_arithmetic3A_517 = arith.shrsi %get3A_510, %shift_right_arithmetic3A_516 : vector<16xi32>
    %mul3A_518 = arith.constant 131072 : i32
    %mul3A_519 = vector.broadcast %mul3A_518 : i32 to vector<16xi32>
    %mul3A_520 = arith.muli %shift_right_arithmetic3A_517, %mul3A_519 : vector<16xi32>
    %mul3A_521 = arith.constant 1024 : i32
    %mul3A_522 = arith.muli %add3A_274, %mul3A_521 : i32
    %add3A_523 = vector.broadcast %mul3A_522 : i32 to vector<16xi32>
    %add3A_524 = arith.addi %mul3A_520, %add3A_523 : vector<16xi32>
    %and3A_525 = arith.constant 7 : i32
    %and3A_526 = vector.broadcast %and3A_525 : i32 to vector<16xi32>
    %and3A_527 = arith.andi %get3A_510, %and3A_526 : vector<16xi32>
    %mul3A_528 = arith.constant 128 : i32
    %mul3A_529 = vector.broadcast %mul3A_528 : i32 to vector<16xi32>
    %mul3A_530 = arith.muli %and3A_527, %mul3A_529 : vector<16xi32>
    %add3A_531 = arith.addi %add3A_524, %mul3A_530 : vector<16xi32>
    %add3A_532 = arith.addi %add3A_531, %add3A_514 : vector<16xi32>
    %swap3A_533 = arith.constant 1 : i32
    %swap3A_534 = arith.index_cast %swap3A_533 : i32 to index
    %swap3A_535 = arith.constant 112 : index
    %swap3A_536 = tpu.vector_load %arg6[%swap3A_534, %swap3A_535] {strides = array<i32>} : memref<4x128xi32, #tpu.memory_space<vmem>>, vector<1x16xi32>,
    %swap3A_537 = vector.shape_cast %swap3A_536 : vector<1x16xi32> to vector<16xi32>
    %swap3A_538 = vector.shape_cast %add3A_532 : vector<16xi32> to vector<1x16xi32>
    tpu.vector_store %arg6[%swap3A_534, %swap3A_535], %swap3A_538 {strides = array<i32>} : memref<4x128xi32, #tpu.memory_space<vmem>>, vector<1x16xi32>,
    %dma_start3A_539 = arith.constant 1 : i32
    %dma_start3A_540 = arith.constant 1 : i32
    %dma_start3A_541 = arith.constant 0 : i32
    %dma_start3A_542 = tpu.memref_slice %arg7[%dma_start3A_540, %dma_start3A_541] : memref<4x128xf32, #tpu.memory_space<vmem>> -> memref<1x128xf32, #tpu.memory_space<vmem>>
    %dma_start3A_543 = tpu.memref_squeeze %dma_start3A_542 : memref<1x128xf32, #tpu.memory_space<vmem>> -> memref<128xf32, #tpu.memory_space<vmem>>
    %dma_start3A_544 = arith.constant 0 : i32
    %dma_start3A_545 = tpu.memref_slice %arg6[%dma_start3A_539, %dma_start3A_544] : memref<4x128xi32, #tpu.memory_space<vmem>> -> memref<1x128xi32, #tpu.memory_space<vmem>>
    %dma_start3A_546 = tpu.memref_squeeze %dma_start3A_545 : memref<1x128xi32, #tpu.memory_space<vmem>> -> memref<128xi32, #tpu.memory_space<vmem>>
    %dma_start3A_547 = arith.constant 0 : i32
    %dma_start3A_548 = tpu.memref_slice %arg2[%dma_start3A_547] : memref<16384000xf32, #tpu.memory_space<hbm>> -> memref<16384000xf32, #tpu.memory_space<hbm>>
    tpu.enqueue_indirect_dma source(%dma_start3A_548 : memref<16384000xf32, #tpu.memory_space<hbm>>) target(%dma_start3A_543 : memref<128xf32, #tpu.memory_space<vmem>>) offsets(%dma_start3A_546 : memref<128xi32, #tpu.memory_space<vmem>>) semaphore(%arg8 : memref<!tpu.dma_semaphore, #tpu.memory_space<semaphore_mem>>)
    %add3A_549 = arith.constant 2 : i32
    %add3A_550 = arith.addi %mul3A_2, %add3A_549 : i32
    %get3A_551 = arith.constant 2 : i32
    %get3A_552 = arith.index_cast %get3A_551 : i32 to index
    %get3A_553 = arith.constant 0 : index
    %get3A_554 = tpu.vector_load %arg5[%get3A_552, %get3A_553] {strides = array<i32>} : memref<4x128xi32, #tpu.memory_space<vmem>>, vector<1x16xi32>,
    %get3A_555 = vector.shape_cast %get3A_554 : vector<1x16xi32> to vector<16xi32>
    %iota3A_556 = tpu.iota {dimensions = array<i32: 0>} : vector<16xi32>
    %add3A_557 = arith.constant 0 : i32
    %add3A_558 = vector.broadcast %add3A_557 : i32 to vector<16xi32>
    %add3A_559 = arith.addi %add3A_558, %iota3A_556 : vector<16xi32>
    %shift_right_arithmetic3A_560 = arith.constant 3 : i32
    %shift_right_arithmetic3A_561 = vector.broadcast %shift_right_arithmetic3A_560 : i32 to vector<16xi32>
    %shift_right_arithmetic3A_562 = arith.shrsi %get3A_555, %shift_right_arithmetic3A_561 : vector<16xi32>
    %mul3A_563 = arith.constant 131072 : i32
    %mul3A_564 = vector.broadcast %mul3A_563 : i32 to vector<16xi32>
    %mul3A_565 = arith.muli %shift_right_arithmetic3A_562, %mul3A_564 : vector<16xi32>
    %mul3A_566 = arith.constant 1024 : i32
    %mul3A_567 = arith.muli %add3A_550, %mul3A_566 : i32
    %add3A_568 = vector.broadcast %mul3A_567 : i32 to vector<16xi32>
    %add3A_569 = arith.addi %mul3A_565, %add3A_568 : vector<16xi32>
    %and3A_570 = arith.constant 7 : i32
    %and3A_571 = vector.broadcast %and3A_570 : i32 to vector<16xi32>
    %and3A_572 = arith.andi %get3A_555, %and3A_571 : vector<16xi32>
    %mul3A_573 = arith.constant 128 : i32
    %mul3A_574 = vector.broadcast %mul3A_573 : i32 to vector<16xi32>
    %mul3A_575 = arith.muli %and3A_572, %mul3A_574 : vector<16xi32>
    %add3A_576 = arith.addi %add3A_569, %mul3A_575 : vector<16xi32>
    %add3A_577 = arith.addi %add3A_576, %add3A_559 : vector<16xi32>
    %swap3A_578 = arith.constant 2 : i32
    %swap3A_579 = arith.index_cast %swap3A_578 : i32 to index
    %swap3A_580 = arith.constant 0 : index
    %swap3A_581 = tpu.vector_load %arg6[%swap3A_579, %swap3A_580] {strides = array<i32>} : memref<4x128xi32, #tpu.memory_space<vmem>>, vector<1x16xi32>,
    %swap3A_582 = vector.shape_cast %swap3A_581 : vector<1x16xi32> to vector<16xi32>
    %swap3A_583 = vector.shape_cast %add3A_577 : vector<16xi32> to vector<1x16xi32>
    tpu.vector_store %arg6[%swap3A_579, %swap3A_580], %swap3A_583 {strides = array<i32>} : memref<4x128xi32, #tpu.memory_space<vmem>>, vector<1x16xi32>,
    %get3A_584 = arith.constant 2 : i32
    %get3A_585 = arith.index_cast %get3A_584 : i32 to index
    %get3A_586 = arith.constant 16 : index
    %get3A_587 = tpu.vector_load %arg5[%get3A_585, %get3A_586] {strides = array<i32>} : memref<4x128xi32, #tpu.memory_space<vmem>>, vector<1x16xi32>,
    %get3A_588 = vector.shape_cast %get3A_587 : vector<1x16xi32> to vector<16xi32>
    %iota3A_589 = tpu.iota {dimensions = array<i32: 0>} : vector<16xi32>
    %add3A_590 = arith.constant 16 : i32
    %add3A_591 = vector.broadcast %add3A_590 : i32 to vector<16xi32>
    %add3A_592 = arith.addi %add3A_591, %iota3A_589 : vector<16xi32>
    %shift_right_arithmetic3A_593 = arith.constant 3 : i32
    %shift_right_arithmetic3A_594 = vector.broadcast %shift_right_arithmetic3A_593 : i32 to vector<16xi32>
    %shift_right_arithmetic3A_595 = arith.shrsi %get3A_588, %shift_right_arithmetic3A_594 : vector<16xi32>
    %mul3A_596 = arith.constant 131072 : i32
    %mul3A_597 = vector.broadcast %mul3A_596 : i32 to vector<16xi32>
    %mul3A_598 = arith.muli %shift_right_arithmetic3A_595, %mul3A_597 : vector<16xi32>
    %mul3A_599 = arith.constant 1024 : i32
    %mul3A_600 = arith.muli %add3A_550, %mul3A_599 : i32
    %add3A_601 = vector.broadcast %mul3A_600 : i32 to vector<16xi32>
    %add3A_602 = arith.addi %mul3A_598, %add3A_601 : vector<16xi32>
    %and3A_603 = arith.constant 7 : i32
    %and3A_604 = vector.broadcast %and3A_603 : i32 to vector<16xi32>
    %and3A_605 = arith.andi %get3A_588, %and3A_604 : vector<16xi32>
    %mul3A_606 = arith.constant 128 : i32
    %mul3A_607 = vector.broadcast %mul3A_606 : i32 to vector<16xi32>
    %mul3A_608 = arith.muli %and3A_605, %mul3A_607 : vector<16xi32>
    %add3A_609 = arith.addi %add3A_602, %mul3A_608 : vector<16xi32>
    %add3A_610 = arith.addi %add3A_609, %add3A_592 : vector<16xi32>
    %swap3A_611 = arith.constant 2 : i32
    %swap3A_612 = arith.index_cast %swap3A_611 : i32 to index
    %swap3A_613 = arith.constant 16 : index
    %swap3A_614 = tpu.vector_load %arg6[%swap3A_612, %swap3A_613] {strides = array<i32>} : memref<4x128xi32, #tpu.memory_space<vmem>>, vector<1x16xi32>,
    %swap3A_615 = vector.shape_cast %swap3A_614 : vector<1x16xi32> to vector<16xi32>
    %swap3A_616 = vector.shape_cast %add3A_610 : vector<16xi32> to vector<1x16xi32>
    tpu.vector_store %arg6[%swap3A_612, %swap3A_613], %swap3A_616 {strides = array<i32>} : memref<4x128xi32, #tpu.memory_space<vmem>>, vector<1x16xi32>,
    %get3A_617 = arith.constant 2 : i32
    %get3A_618 = arith.index_cast %get3A_617 : i32 to index
    %get3A_619 = arith.constant 32 : index
    %get3A_620 = tpu.vector_load %arg5[%get3A_618, %get3A_619] {strides = array<i32>} : memref<4x128xi32, #tpu.memory_space<vmem>>, vector<1x16xi32>,
    %get3A_621 = vector.shape_cast %get3A_620 : vector<1x16xi32> to vector<16xi32>
    %iota3A_622 = tpu.iota {dimensions = array<i32: 0>} : vector<16xi32>
    %add3A_623 = arith.constant 32 : i32
    %add3A_624 = vector.broadcast %add3A_623 : i32 to vector<16xi32>
    %add3A_625 = arith.addi %add3A_624, %iota3A_622 : vector<16xi32>
    %shift_right_arithmetic3A_626 = arith.constant 3 : i32
    %shift_right_arithmetic3A_627 = vector.broadcast %shift_right_arithmetic3A_626 : i32 to vector<16xi32>
    %shift_right_arithmetic3A_628 = arith.shrsi %get3A_621, %shift_right_arithmetic3A_627 : vector<16xi32>
    %mul3A_629 = arith.constant 131072 : i32
    %mul3A_630 = vector.broadcast %mul3A_629 : i32 to vector<16xi32>
    %mul3A_631 = arith.muli %shift_right_arithmetic3A_628, %mul3A_630 : vector<16xi32>
    %mul3A_632 = arith.constant 1024 : i32
    %mul3A_633 = arith.muli %add3A_550, %mul3A_632 : i32
    %add3A_634 = vector.broadcast %mul3A_633 : i32 to vector<16xi32>
    %add3A_635 = arith.addi %mul3A_631, %add3A_634 : vector<16xi32>
    %and3A_636 = arith.constant 7 : i32
    %and3A_637 = vector.broadcast %and3A_636 : i32 to vector<16xi32>
    %and3A_638 = arith.andi %get3A_621, %and3A_637 : vector<16xi32>
    %mul3A_639 = arith.constant 128 : i32
    %mul3A_640 = vector.broadcast %mul3A_639 : i32 to vector<16xi32>
    %mul3A_641 = arith.muli %and3A_638, %mul3A_640 : vector<16xi32>
    %add3A_642 = arith.addi %add3A_635, %mul3A_641 : vector<16xi32>
    %add3A_643 = arith.addi %add3A_642, %add3A_625 : vector<16xi32>
    %swap3A_644 = arith.constant 2 : i32
    %swap3A_645 = arith.index_cast %swap3A_644 : i32 to index
    %swap3A_646 = arith.constant 32 : index
    %swap3A_647 = tpu.vector_load %arg6[%swap3A_645, %swap3A_646] {strides = array<i32>} : memref<4x128xi32, #tpu.memory_space<vmem>>, vector<1x16xi32>,
    %swap3A_648 = vector.shape_cast %swap3A_647 : vector<1x16xi32> to vector<16xi32>
    %swap3A_649 = vector.shape_cast %add3A_643 : vector<16xi32> to vector<1x16xi32>
    tpu.vector_store %arg6[%swap3A_645, %swap3A_646], %swap3A_649 {strides = array<i32>} : memref<4x128xi32, #tpu.memory_space<vmem>>, vector<1x16xi32>,
    %get3A_650 = arith.constant 2 : i32
    %get3A_651 = arith.index_cast %get3A_650 : i32 to index
    %get3A_652 = arith.constant 48 : index
    %get3A_653 = tpu.vector_load %arg5[%get3A_651, %get3A_652] {strides = array<i32>} : memref<4x128xi32, #tpu.memory_space<vmem>>, vector<1x16xi32>,
    %get3A_654 = vector.shape_cast %get3A_653 : vector<1x16xi32> to vector<16xi32>
    %iota3A_655 = tpu.iota {dimensions = array<i32: 0>} : vector<16xi32>
    %add3A_656 = arith.constant 48 : i32
    %add3A_657 = vector.broadcast %add3A_656 : i32 to vector<16xi32>
    %add3A_658 = arith.addi %add3A_657, %iota3A_655 : vector<16xi32>
    %shift_right_arithmetic3A_659 = arith.constant 3 : i32
    %shift_right_arithmetic3A_660 = vector.broadcast %shift_right_arithmetic3A_659 : i32 to vector<16xi32>
    %shift_right_arithmetic3A_661 = arith.shrsi %get3A_654, %shift_right_arithmetic3A_660 : vector<16xi32>
    %mul3A_662 = arith.constant 131072 : i32
    %mul3A_663 = vector.broadcast %mul3A_662 : i32 to vector<16xi32>
    %mul3A_664 = arith.muli %shift_right_arithmetic3A_661, %mul3A_663 : vector<16xi32>
    %mul3A_665 = arith.constant 1024 : i32
    %mul3A_666 = arith.muli %add3A_550, %mul3A_665 : i32
    %add3A_667 = vector.broadcast %mul3A_666 : i32 to vector<16xi32>
    %add3A_668 = arith.addi %mul3A_664, %add3A_667 : vector<16xi32>
    %and3A_669 = arith.constant 7 : i32
    %and3A_670 = vector.broadcast %and3A_669 : i32 to vector<16xi32>
    %and3A_671 = arith.andi %get3A_654, %and3A_670 : vector<16xi32>
    %mul3A_672 = arith.constant 128 : i32
    %mul3A_673 = vector.broadcast %mul3A_672 : i32 to vector<16xi32>
    %mul3A_674 = arith.muli %and3A_671, %mul3A_673 : vector<16xi32>
    %add3A_675 = arith.addi %add3A_668, %mul3A_674 : vector<16xi32>
    %add3A_676 = arith.addi %add3A_675, %add3A_658 : vector<16xi32>
    %swap3A_677 = arith.constant 2 : i32
    %swap3A_678 = arith.index_cast %swap3A_677 : i32 to index
    %swap3A_679 = arith.constant 48 : index
    %swap3A_680 = tpu.vector_load %arg6[%swap3A_678, %swap3A_679] {strides = array<i32>} : memref<4x128xi32, #tpu.memory_space<vmem>>, vector<1x16xi32>,
    %swap3A_681 = vector.shape_cast %swap3A_680 : vector<1x16xi32> to vector<16xi32>
    %swap3A_682 = vector.shape_cast %add3A_676 : vector<16xi32> to vector<1x16xi32>
    tpu.vector_store %arg6[%swap3A_678, %swap3A_679], %swap3A_682 {strides = array<i32>} : memref<4x128xi32, #tpu.memory_space<vmem>>, vector<1x16xi32>,
    %get3A_683 = arith.constant 2 : i32
    %get3A_684 = arith.index_cast %get3A_683 : i32 to index
    %get3A_685 = arith.constant 64 : index
    %get3A_686 = tpu.vector_load %arg5[%get3A_684, %get3A_685] {strides = array<i32>} : memref<4x128xi32, #tpu.memory_space<vmem>>, vector<1x16xi32>,
    %get3A_687 = vector.shape_cast %get3A_686 : vector<1x16xi32> to vector<16xi32>
    %iota3A_688 = tpu.iota {dimensions = array<i32: 0>} : vector<16xi32>
    %add3A_689 = arith.constant 64 : i32
    %add3A_690 = vector.broadcast %add3A_689 : i32 to vector<16xi32>
    %add3A_691 = arith.addi %add3A_690, %iota3A_688 : vector<16xi32>
    %shift_right_arithmetic3A_692 = arith.constant 3 : i32
    %shift_right_arithmetic3A_693 = vector.broadcast %shift_right_arithmetic3A_692 : i32 to vector<16xi32>
    %shift_right_arithmetic3A_694 = arith.shrsi %get3A_687, %shift_right_arithmetic3A_693 : vector<16xi32>
    %mul3A_695 = arith.constant 131072 : i32
    %mul3A_696 = vector.broadcast %mul3A_695 : i32 to vector<16xi32>
    %mul3A_697 = arith.muli %shift_right_arithmetic3A_694, %mul3A_696 : vector<16xi32>
    %mul3A_698 = arith.constant 1024 : i32
    %mul3A_699 = arith.muli %add3A_550, %mul3A_698 : i32
    %add3A_700 = vector.broadcast %mul3A_699 : i32 to vector<16xi32>
    %add3A_701 = arith.addi %mul3A_697, %add3A_700 : vector<16xi32>
    %and3A_702 = arith.constant 7 : i32
    %and3A_703 = vector.broadcast %and3A_702 : i32 to vector<16xi32>
    %and3A_704 = arith.andi %get3A_687, %and3A_703 : vector<16xi32>
    %mul3A_705 = arith.constant 128 : i32
    %mul3A_706 = vector.broadcast %mul3A_705 : i32 to vector<16xi32>
    %mul3A_707 = arith.muli %and3A_704, %mul3A_706 : vector<16xi32>
    %add3A_708 = arith.addi %add3A_701, %mul3A_707 : vector<16xi32>
    %add3A_709 = arith.addi %add3A_708, %add3A_691 : vector<16xi32>
    %swap3A_710 = arith.constant 2 : i32
    %swap3A_711 = arith.index_cast %swap3A_710 : i32 to index
    %swap3A_712 = arith.constant 64 : index
    %swap3A_713 = tpu.vector_load %arg6[%swap3A_711, %swap3A_712] {strides = array<i32>} : memref<4x128xi32, #tpu.memory_space<vmem>>, vector<1x16xi32>,
    %swap3A_714 = vector.shape_cast %swap3A_713 : vector<1x16xi32> to vector<16xi32>
    %swap3A_715 = vector.shape_cast %add3A_709 : vector<16xi32> to vector<1x16xi32>
    tpu.vector_store %arg6[%swap3A_711, %swap3A_712], %swap3A_715 {strides = array<i32>} : memref<4x128xi32, #tpu.memory_space<vmem>>, vector<1x16xi32>,
    %get3A_716 = arith.constant 2 : i32
    %get3A_717 = arith.index_cast %get3A_716 : i32 to index
    %get3A_718 = arith.constant 80 : index
    %get3A_719 = tpu.vector_load %arg5[%get3A_717, %get3A_718] {strides = array<i32>} : memref<4x128xi32, #tpu.memory_space<vmem>>, vector<1x16xi32>,
    %get3A_720 = vector.shape_cast %get3A_719 : vector<1x16xi32> to vector<16xi32>
    %iota3A_721 = tpu.iota {dimensions = array<i32: 0>} : vector<16xi32>
    %add3A_722 = arith.constant 80 : i32
    %add3A_723 = vector.broadcast %add3A_722 : i32 to vector<16xi32>
    %add3A_724 = arith.addi %add3A_723, %iota3A_721 : vector<16xi32>
    %shift_right_arithmetic3A_725 = arith.constant 3 : i32
    %shift_right_arithmetic3A_726 = vector.broadcast %shift_right_arithmetic3A_725 : i32 to vector<16xi32>
    %shift_right_arithmetic3A_727 = arith.shrsi %get3A_720, %shift_right_arithmetic3A_726 : vector<16xi32>
    %mul3A_728 = arith.constant 131072 : i32
    %mul3A_729 = vector.broadcast %mul3A_728 : i32 to vector<16xi32>
    %mul3A_730 = arith.muli %shift_right_arithmetic3A_727, %mul3A_729 : vector<16xi32>
    %mul3A_731 = arith.constant 1024 : i32
    %mul3A_732 = arith.muli %add3A_550, %mul3A_731 : i32
    %add3A_733 = vector.broadcast %mul3A_732 : i32 to vector<16xi32>
    %add3A_734 = arith.addi %mul3A_730, %add3A_733 : vector<16xi32>
    %and3A_735 = arith.constant 7 : i32
    %and3A_736 = vector.broadcast %and3A_735 : i32 to vector<16xi32>
    %and3A_737 = arith.andi %get3A_720, %and3A_736 : vector<16xi32>
    %mul3A_738 = arith.constant 128 : i32
    %mul3A_739 = vector.broadcast %mul3A_738 : i32 to vector<16xi32>
    %mul3A_740 = arith.muli %and3A_737, %mul3A_739 : vector<16xi32>
    %add3A_741 = arith.addi %add3A_734, %mul3A_740 : vector<16xi32>
    %add3A_742 = arith.addi %add3A_741, %add3A_724 : vector<16xi32>
    %swap3A_743 = arith.constant 2 : i32
    %swap3A_744 = arith.index_cast %swap3A_743 : i32 to index
    %swap3A_745 = arith.constant 80 : index
    %swap3A_746 = tpu.vector_load %arg6[%swap3A_744, %swap3A_745] {strides = array<i32>} : memref<4x128xi32, #tpu.memory_space<vmem>>, vector<1x16xi32>,
    %swap3A_747 = vector.shape_cast %swap3A_746 : vector<1x16xi32> to vector<16xi32>
    %swap3A_748 = vector.shape_cast %add3A_742 : vector<16xi32> to vector<1x16xi32>
    tpu.vector_store %arg6[%swap3A_744, %swap3A_745], %swap3A_748 {strides = array<i32>} : memref<4x128xi32, #tpu.memory_space<vmem>>, vector<1x16xi32>,
    %get3A_749 = arith.constant 2 : i32
    %get3A_750 = arith.index_cast %get3A_749 : i32 to index
    %get3A_751 = arith.constant 96 : index
    %get3A_752 = tpu.vector_load %arg5[%get3A_750, %get3A_751] {strides = array<i32>} : memref<4x128xi32, #tpu.memory_space<vmem>>, vector<1x16xi32>,
    %get3A_753 = vector.shape_cast %get3A_752 : vector<1x16xi32> to vector<16xi32>
    %iota3A_754 = tpu.iota {dimensions = array<i32: 0>} : vector<16xi32>
    %add3A_755 = arith.constant 96 : i32
    %add3A_756 = vector.broadcast %add3A_755 : i32 to vector<16xi32>
    %add3A_757 = arith.addi %add3A_756, %iota3A_754 : vector<16xi32>
    %shift_right_arithmetic3A_758 = arith.constant 3 : i32
    %shift_right_arithmetic3A_759 = vector.broadcast %shift_right_arithmetic3A_758 : i32 to vector<16xi32>
    %shift_right_arithmetic3A_760 = arith.shrsi %get3A_753, %shift_right_arithmetic3A_759 : vector<16xi32>
    %mul3A_761 = arith.constant 131072 : i32
    %mul3A_762 = vector.broadcast %mul3A_761 : i32 to vector<16xi32>
    %mul3A_763 = arith.muli %shift_right_arithmetic3A_760, %mul3A_762 : vector<16xi32>
    %mul3A_764 = arith.constant 1024 : i32
    %mul3A_765 = arith.muli %add3A_550, %mul3A_764 : i32
    %add3A_766 = vector.broadcast %mul3A_765 : i32 to vector<16xi32>
    %add3A_767 = arith.addi %mul3A_763, %add3A_766 : vector<16xi32>
    %and3A_768 = arith.constant 7 : i32
    %and3A_769 = vector.broadcast %and3A_768 : i32 to vector<16xi32>
    %and3A_770 = arith.andi %get3A_753, %and3A_769 : vector<16xi32>
    %mul3A_771 = arith.constant 128 : i32
    %mul3A_772 = vector.broadcast %mul3A_771 : i32 to vector<16xi32>
    %mul3A_773 = arith.muli %and3A_770, %mul3A_772 : vector<16xi32>
    %add3A_774 = arith.addi %add3A_767, %mul3A_773 : vector<16xi32>
    %add3A_775 = arith.addi %add3A_774, %add3A_757 : vector<16xi32>
    %swap3A_776 = arith.constant 2 : i32
    %swap3A_777 = arith.index_cast %swap3A_776 : i32 to index
    %swap3A_778 = arith.constant 96 : index
    %swap3A_779 = tpu.vector_load %arg6[%swap3A_777, %swap3A_778] {strides = array<i32>} : memref<4x128xi32, #tpu.memory_space<vmem>>, vector<1x16xi32>,
    %swap3A_780 = vector.shape_cast %swap3A_779 : vector<1x16xi32> to vector<16xi32>
    %swap3A_781 = vector.shape_cast %add3A_775 : vector<16xi32> to vector<1x16xi32>
    tpu.vector_store %arg6[%swap3A_777, %swap3A_778], %swap3A_781 {strides = array<i32>} : memref<4x128xi32, #tpu.memory_space<vmem>>, vector<1x16xi32>,
    %get3A_782 = arith.constant 2 : i32
    %get3A_783 = arith.index_cast %get3A_782 : i32 to index
    %get3A_784 = arith.constant 112 : index
    %get3A_785 = tpu.vector_load %arg5[%get3A_783, %get3A_784] {strides = array<i32>} : memref<4x128xi32, #tpu.memory_space<vmem>>, vector<1x16xi32>,
    %get3A_786 = vector.shape_cast %get3A_785 : vector<1x16xi32> to vector<16xi32>
    %iota3A_787 = tpu.iota {dimensions = array<i32: 0>} : vector<16xi32>
    %add3A_788 = arith.constant 112 : i32
    %add3A_789 = vector.broadcast %add3A_788 : i32 to vector<16xi32>
    %add3A_790 = arith.addi %add3A_789, %iota3A_787 : vector<16xi32>
    %shift_right_arithmetic3A_791 = arith.constant 3 : i32
    %shift_right_arithmetic3A_792 = vector.broadcast %shift_right_arithmetic3A_791 : i32 to vector<16xi32>
    %shift_right_arithmetic3A_793 = arith.shrsi %get3A_786, %shift_right_arithmetic3A_792 : vector<16xi32>
    %mul3A_794 = arith.constant 131072 : i32
    %mul3A_795 = vector.broadcast %mul3A_794 : i32 to vector<16xi32>
    %mul3A_796 = arith.muli %shift_right_arithmetic3A_793, %mul3A_795 : vector<16xi32>
    %mul3A_797 = arith.constant 1024 : i32
    %mul3A_798 = arith.muli %add3A_550, %mul3A_797 : i32
    %add3A_799 = vector.broadcast %mul3A_798 : i32 to vector<16xi32>
    %add3A_800 = arith.addi %mul3A_796, %add3A_799 : vector<16xi32>
    %and3A_801 = arith.constant 7 : i32
    %and3A_802 = vector.broadcast %and3A_801 : i32 to vector<16xi32>
    %and3A_803 = arith.andi %get3A_786, %and3A_802 : vector<16xi32>
    %mul3A_804 = arith.constant 128 : i32
    %mul3A_805 = vector.broadcast %mul3A_804 : i32 to vector<16xi32>
    %mul3A_806 = arith.muli %and3A_803, %mul3A_805 : vector<16xi32>
    %add3A_807 = arith.addi %add3A_800, %mul3A_806 : vector<16xi32>
    %add3A_808 = arith.addi %add3A_807, %add3A_790 : vector<16xi32>
    %swap3A_809 = arith.constant 2 : i32
    %swap3A_810 = arith.index_cast %swap3A_809 : i32 to index
    %swap3A_811 = arith.constant 112 : index
    %swap3A_812 = tpu.vector_load %arg6[%swap3A_810, %swap3A_811] {strides = array<i32>} : memref<4x128xi32, #tpu.memory_space<vmem>>, vector<1x16xi32>,
    %swap3A_813 = vector.shape_cast %swap3A_812 : vector<1x16xi32> to vector<16xi32>
    %swap3A_814 = vector.shape_cast %add3A_808 : vector<16xi32> to vector<1x16xi32>
    tpu.vector_store %arg6[%swap3A_810, %swap3A_811], %swap3A_814 {strides = array<i32>} : memref<4x128xi32, #tpu.memory_space<vmem>>, vector<1x16xi32>,
    %dma_start3A_815 = arith.constant 2 : i32
    %dma_start3A_816 = arith.constant 2 : i32
    %dma_start3A_817 = arith.constant 0 : i32
    %dma_start3A_818 = tpu.memref_slice %arg7[%dma_start3A_816, %dma_start3A_817] : memref<4x128xf32, #tpu.memory_space<vmem>> -> memref<1x128xf32, #tpu.memory_space<vmem>>
    %dma_start3A_819 = tpu.memref_squeeze %dma_start3A_818 : memref<1x128xf32, #tpu.memory_space<vmem>> -> memref<128xf32, #tpu.memory_space<vmem>>
    %dma_start3A_820 = arith.constant 0 : i32
    %dma_start3A_821 = tpu.memref_slice %arg6[%dma_start3A_815, %dma_start3A_820] : memref<4x128xi32, #tpu.memory_space<vmem>> -> memref<1x128xi32, #tpu.memory_space<vmem>>
    %dma_start3A_822 = tpu.memref_squeeze %dma_start3A_821 : memref<1x128xi32, #tpu.memory_space<vmem>> -> memref<128xi32, #tpu.memory_space<vmem>>
    %dma_start3A_823 = arith.constant 0 : i32
    %dma_start3A_824 = tpu.memref_slice %arg2[%dma_start3A_823] : memref<16384000xf32, #tpu.memory_space<hbm>> -> memref<16384000xf32, #tpu.memory_space<hbm>>
    tpu.enqueue_indirect_dma source(%dma_start3A_824 : memref<16384000xf32, #tpu.memory_space<hbm>>) target(%dma_start3A_819 : memref<128xf32, #tpu.memory_space<vmem>>) offsets(%dma_start3A_822 : memref<128xi32, #tpu.memory_space<vmem>>) semaphore(%arg8 : memref<!tpu.dma_semaphore, #tpu.memory_space<semaphore_mem>>)
    %add3A_825 = arith.constant 3 : i32
    %add3A_826 = arith.addi %mul3A_2, %add3A_825 : i32
    %get3A_827 = arith.constant 3 : i32
    %get3A_828 = arith.index_cast %get3A_827 : i32 to index
    %get3A_829 = arith.constant 0 : index
    %get3A_830 = tpu.vector_load %arg5[%get3A_828, %get3A_829] {strides = array<i32>} : memref<4x128xi32, #tpu.memory_space<vmem>>, vector<1x16xi32>,
    %get3A_831 = vector.shape_cast %get3A_830 : vector<1x16xi32> to vector<16xi32>
    %iota3A_832 = tpu.iota {dimensions = array<i32: 0>} : vector<16xi32>
    %add3A_833 = arith.constant 0 : i32
    %add3A_834 = vector.broadcast %add3A_833 : i32 to vector<16xi32>
    %add3A_835 = arith.addi %add3A_834, %iota3A_832 : vector<16xi32>
    %shift_right_arithmetic3A_836 = arith.constant 3 : i32
    %shift_right_arithmetic3A_837 = vector.broadcast %shift_right_arithmetic3A_836 : i32 to vector<16xi32>
    %shift_right_arithmetic3A_838 = arith.shrsi %get3A_831, %shift_right_arithmetic3A_837 : vector<16xi32>
    %mul3A_839 = arith.constant 131072 : i32
    %mul3A_840 = vector.broadcast %mul3A_839 : i32 to vector<16xi32>
    %mul3A_841 = arith.muli %shift_right_arithmetic3A_838, %mul3A_840 : vector<16xi32>
    %mul3A_842 = arith.constant 1024 : i32
    %mul3A_843 = arith.muli %add3A_826, %mul3A_842 : i32
    %add3A_844 = vector.broadcast %mul3A_843 : i32 to vector<16xi32>
    %add3A_845 = arith.addi %mul3A_841, %add3A_844 : vector<16xi32>
    %and3A_846 = arith.constant 7 : i32
    %and3A_847 = vector.broadcast %and3A_846 : i32 to vector<16xi32>
    %and3A_848 = arith.andi %get3A_831, %and3A_847 : vector<16xi32>
    %mul3A_849 = arith.constant 128 : i32
    %mul3A_850 = vector.broadcast %mul3A_849 : i32 to vector<16xi32>
    %mul3A_851 = arith.muli %and3A_848, %mul3A_850 : vector<16xi32>
    %add3A_852 = arith.addi %add3A_845, %mul3A_851 : vector<16xi32>
    %add3A_853 = arith.addi %add3A_852, %add3A_835 : vector<16xi32>
    %swap3A_854 = arith.constant 3 : i32
    %swap3A_855 = arith.index_cast %swap3A_854 : i32 to index
    %swap3A_856 = arith.constant 0 : index
    %swap3A_857 = tpu.vector_load %arg6[%swap3A_855, %swap3A_856] {strides = array<i32>} : memref<4x128xi32, #tpu.memory_space<vmem>>, vector<1x16xi32>,
    %swap3A_858 = vector.shape_cast %swap3A_857 : vector<1x16xi32> to vector<16xi32>
    %swap3A_859 = vector.shape_cast %add3A_853 : vector<16xi32> to vector<1x16xi32>
    tpu.vector_store %arg6[%swap3A_855, %swap3A_856], %swap3A_859 {strides = array<i32>} : memref<4x128xi32, #tpu.memory_space<vmem>>, vector<1x16xi32>,
    %get3A_860 = arith.constant 3 : i32
    %get3A_861 = arith.index_cast %get3A_860 : i32 to index
    %get3A_862 = arith.constant 16 : index
    %get3A_863 = tpu.vector_load %arg5[%get3A_861, %get3A_862] {strides = array<i32>} : memref<4x128xi32, #tpu.memory_space<vmem>>, vector<1x16xi32>,
    %get3A_864 = vector.shape_cast %get3A_863 : vector<1x16xi32> to vector<16xi32>
    %iota3A_865 = tpu.iota {dimensions = array<i32: 0>} : vector<16xi32>
    %add3A_866 = arith.constant 16 : i32
    %add3A_867 = vector.broadcast %add3A_866 : i32 to vector<16xi32>
    %add3A_868 = arith.addi %add3A_867, %iota3A_865 : vector<16xi32>
    %shift_right_arithmetic3A_869 = arith.constant 3 : i32
    %shift_right_arithmetic3A_870 = vector.broadcast %shift_right_arithmetic3A_869 : i32 to vector<16xi32>
    %shift_right_arithmetic3A_871 = arith.shrsi %get3A_864, %shift_right_arithmetic3A_870 : vector<16xi32>
    %mul3A_872 = arith.constant 131072 : i32
    %mul3A_873 = vector.broadcast %mul3A_872 : i32 to vector<16xi32>
    %mul3A_874 = arith.muli %shift_right_arithmetic3A_871, %mul3A_873 : vector<16xi32>
    %mul3A_875 = arith.constant 1024 : i32
    %mul3A_876 = arith.muli %add3A_826, %mul3A_875 : i32
    %add3A_877 = vector.broadcast %mul3A_876 : i32 to vector<16xi32>
    %add3A_878 = arith.addi %mul3A_874, %add3A_877 : vector<16xi32>
    %and3A_879 = arith.constant 7 : i32
    %and3A_880 = vector.broadcast %and3A_879 : i32 to vector<16xi32>
    %and3A_881 = arith.andi %get3A_864, %and3A_880 : vector<16xi32>
    %mul3A_882 = arith.constant 128 : i32
    %mul3A_883 = vector.broadcast %mul3A_882 : i32 to vector<16xi32>
    %mul3A_884 = arith.muli %and3A_881, %mul3A_883 : vector<16xi32>
    %add3A_885 = arith.addi %add3A_878, %mul3A_884 : vector<16xi32>
    %add3A_886 = arith.addi %add3A_885, %add3A_868 : vector<16xi32>
    %swap3A_887 = arith.constant 3 : i32
    %swap3A_888 = arith.index_cast %swap3A_887 : i32 to index
    %swap3A_889 = arith.constant 16 : index
    %swap3A_890 = tpu.vector_load %arg6[%swap3A_888, %swap3A_889] {strides = array<i32>} : memref<4x128xi32, #tpu.memory_space<vmem>>, vector<1x16xi32>,
    %swap3A_891 = vector.shape_cast %swap3A_890 : vector<1x16xi32> to vector<16xi32>
    %swap3A_892 = vector.shape_cast %add3A_886 : vector<16xi32> to vector<1x16xi32>
    tpu.vector_store %arg6[%swap3A_888, %swap3A_889], %swap3A_892 {strides = array<i32>} : memref<4x128xi32, #tpu.memory_space<vmem>>, vector<1x16xi32>,
    %get3A_893 = arith.constant 3 : i32
    %get3A_894 = arith.index_cast %get3A_893 : i32 to index
    %get3A_895 = arith.constant 32 : index
    %get3A_896 = tpu.vector_load %arg5[%get3A_894, %get3A_895] {strides = array<i32>} : memref<4x128xi32, #tpu.memory_space<vmem>>, vector<1x16xi32>,
    %get3A_897 = vector.shape_cast %get3A_896 : vector<1x16xi32> to vector<16xi32>
    %iota3A_898 = tpu.iota {dimensions = array<i32: 0>} : vector<16xi32>
    %add3A_899 = arith.constant 32 : i32
    %add3A_900 = vector.broadcast %add3A_899 : i32 to vector<16xi32>
    %add3A_901 = arith.addi %add3A_900, %iota3A_898 : vector<16xi32>
    %shift_right_arithmetic3A_902 = arith.constant 3 : i32
    %shift_right_arithmetic3A_903 = vector.broadcast %shift_right_arithmetic3A_902 : i32 to vector<16xi32>
    %shift_right_arithmetic3A_904 = arith.shrsi %get3A_897, %shift_right_arithmetic3A_903 : vector<16xi32>
    %mul3A_905 = arith.constant 131072 : i32
    %mul3A_906 = vector.broadcast %mul3A_905 : i32 to vector<16xi32>
    %mul3A_907 = arith.muli %shift_right_arithmetic3A_904, %mul3A_906 : vector<16xi32>
    %mul3A_908 = arith.constant 1024 : i32
    %mul3A_909 = arith.muli %add3A_826, %mul3A_908 : i32
    %add3A_910 = vector.broadcast %mul3A_909 : i32 to vector<16xi32>
    %add3A_911 = arith.addi %mul3A_907, %add3A_910 : vector<16xi32>
    %and3A_912 = arith.constant 7 : i32
    %and3A_913 = vector.broadcast %and3A_912 : i32 to vector<16xi32>
    %and3A_914 = arith.andi %get3A_897, %and3A_913 : vector<16xi32>
    %mul3A_915 = arith.constant 128 : i32
    %mul3A_916 = vector.broadcast %mul3A_915 : i32 to vector<16xi32>
    %mul3A_917 = arith.muli %and3A_914, %mul3A_916 : vector<16xi32>
    %add3A_918 = arith.addi %add3A_911, %mul3A_917 : vector<16xi32>
    %add3A_919 = arith.addi %add3A_918, %add3A_901 : vector<16xi32>
    %swap3A_920 = arith.constant 3 : i32
    %swap3A_921 = arith.index_cast %swap3A_920 : i32 to index
    %swap3A_922 = arith.constant 32 : index
    %swap3A_923 = tpu.vector_load %arg6[%swap3A_921, %swap3A_922] {strides = array<i32>} : memref<4x128xi32, #tpu.memory_space<vmem>>, vector<1x16xi32>,
    %swap3A_924 = vector.shape_cast %swap3A_923 : vector<1x16xi32> to vector<16xi32>
    %swap3A_925 = vector.shape_cast %add3A_919 : vector<16xi32> to vector<1x16xi32>
    tpu.vector_store %arg6[%swap3A_921, %swap3A_922], %swap3A_925 {strides = array<i32>} : memref<4x128xi32, #tpu.memory_space<vmem>>, vector<1x16xi32>,
    %get3A_926 = arith.constant 3 : i32
    %get3A_927 = arith.index_cast %get3A_926 : i32 to index
    %get3A_928 = arith.constant 48 : index
    %get3A_929 = tpu.vector_load %arg5[%get3A_927, %get3A_928] {strides = array<i32>} : memref<4x128xi32, #tpu.memory_space<vmem>>, vector<1x16xi32>,
    %get3A_930 = vector.shape_cast %get3A_929 : vector<1x16xi32> to vector<16xi32>
    %iota3A_931 = tpu.iota {dimensions = array<i32: 0>} : vector<16xi32>
    %add3A_932 = arith.constant 48 : i32
    %add3A_933 = vector.broadcast %add3A_932 : i32 to vector<16xi32>
    %add3A_934 = arith.addi %add3A_933, %iota3A_931 : vector<16xi32>
    %shift_right_arithmetic3A_935 = arith.constant 3 : i32
    %shift_right_arithmetic3A_936 = vector.broadcast %shift_right_arithmetic3A_935 : i32 to vector<16xi32>
    %shift_right_arithmetic3A_937 = arith.shrsi %get3A_930, %shift_right_arithmetic3A_936 : vector<16xi32>
    %mul3A_938 = arith.constant 131072 : i32
    %mul3A_939 = vector.broadcast %mul3A_938 : i32 to vector<16xi32>
    %mul3A_940 = arith.muli %shift_right_arithmetic3A_937, %mul3A_939 : vector<16xi32>
    %mul3A_941 = arith.constant 1024 : i32
    %mul3A_942 = arith.muli %add3A_826, %mul3A_941 : i32
    %add3A_943 = vector.broadcast %mul3A_942 : i32 to vector<16xi32>
    %add3A_944 = arith.addi %mul3A_940, %add3A_943 : vector<16xi32>
    %and3A_945 = arith.constant 7 : i32
    %and3A_946 = vector.broadcast %and3A_945 : i32 to vector<16xi32>
    %and3A_947 = arith.andi %get3A_930, %and3A_946 : vector<16xi32>
    %mul3A_948 = arith.constant 128 : i32
    %mul3A_949 = vector.broadcast %mul3A_948 : i32 to vector<16xi32>
    %mul3A_950 = arith.muli %and3A_947, %mul3A_949 : vector<16xi32>
    %add3A_951 = arith.addi %add3A_944, %mul3A_950 : vector<16xi32>
    %add3A_952 = arith.addi %add3A_951, %add3A_934 : vector<16xi32>
    %swap3A_953 = arith.constant 3 : i32
    %swap3A_954 = arith.index_cast %swap3A_953 : i32 to index
    %swap3A_955 = arith.constant 48 : index
    %swap3A_956 = tpu.vector_load %arg6[%swap3A_954, %swap3A_955] {strides = array<i32>} : memref<4x128xi32, #tpu.memory_space<vmem>>, vector<1x16xi32>,
    %swap3A_957 = vector.shape_cast %swap3A_956 : vector<1x16xi32> to vector<16xi32>
    %swap3A_958 = vector.shape_cast %add3A_952 : vector<16xi32> to vector<1x16xi32>
    tpu.vector_store %arg6[%swap3A_954, %swap3A_955], %swap3A_958 {strides = array<i32>} : memref<4x128xi32, #tpu.memory_space<vmem>>, vector<1x16xi32>,
    %get3A_959 = arith.constant 3 : i32
    %get3A_960 = arith.index_cast %get3A_959 : i32 to index
    %get3A_961 = arith.constant 64 : index
    %get3A_962 = tpu.vector_load %arg5[%get3A_960, %get3A_961] {strides = array<i32>} : memref<4x128xi32, #tpu.memory_space<vmem>>, vector<1x16xi32>,
    %get3A_963 = vector.shape_cast %get3A_962 : vector<1x16xi32> to vector<16xi32>
    %iota3A_964 = tpu.iota {dimensions = array<i32: 0>} : vector<16xi32>
    %add3A_965 = arith.constant 64 : i32
    %add3A_966 = vector.broadcast %add3A_965 : i32 to vector<16xi32>
    %add3A_967 = arith.addi %add3A_966, %iota3A_964 : vector<16xi32>
    %shift_right_arithmetic3A_968 = arith.constant 3 : i32
    %shift_right_arithmetic3A_969 = vector.broadcast %shift_right_arithmetic3A_968 : i32 to vector<16xi32>
    %shift_right_arithmetic3A_970 = arith.shrsi %get3A_963, %shift_right_arithmetic3A_969 : vector<16xi32>
    %mul3A_971 = arith.constant 131072 : i32
    %mul3A_972 = vector.broadcast %mul3A_971 : i32 to vector<16xi32>
    %mul3A_973 = arith.muli %shift_right_arithmetic3A_970, %mul3A_972 : vector<16xi32>
    %mul3A_974 = arith.constant 1024 : i32
    %mul3A_975 = arith.muli %add3A_826, %mul3A_974 : i32
    %add3A_976 = vector.broadcast %mul3A_975 : i32 to vector<16xi32>
    %add3A_977 = arith.addi %mul3A_973, %add3A_976 : vector<16xi32>
    %and3A_978 = arith.constant 7 : i32
    %and3A_979 = vector.broadcast %and3A_978 : i32 to vector<16xi32>
    %and3A_980 = arith.andi %get3A_963, %and3A_979 : vector<16xi32>
    %mul3A_981 = arith.constant 128 : i32
    %mul3A_982 = vector.broadcast %mul3A_981 : i32 to vector<16xi32>
    %mul3A_983 = arith.muli %and3A_980, %mul3A_982 : vector<16xi32>
    %add3A_984 = arith.addi %add3A_977, %mul3A_983 : vector<16xi32>
    %add3A_985 = arith.addi %add3A_984, %add3A_967 : vector<16xi32>
    %swap3A_986 = arith.constant 3 : i32
    %swap3A_987 = arith.index_cast %swap3A_986 : i32 to index
    %swap3A_988 = arith.constant 64 : index
    %swap3A_989 = tpu.vector_load %arg6[%swap3A_987, %swap3A_988] {strides = array<i32>} : memref<4x128xi32, #tpu.memory_space<vmem>>, vector<1x16xi32>,
    %swap3A_990 = vector.shape_cast %swap3A_989 : vector<1x16xi32> to vector<16xi32>
    %swap3A_991 = vector.shape_cast %add3A_985 : vector<16xi32> to vector<1x16xi32>
    tpu.vector_store %arg6[%swap3A_987, %swap3A_988], %swap3A_991 {strides = array<i32>} : memref<4x128xi32, #tpu.memory_space<vmem>>, vector<1x16xi32>,
    %get3A_992 = arith.constant 3 : i32
    %get3A_993 = arith.index_cast %get3A_992 : i32 to index
    %get3A_994 = arith.constant 80 : index
    %get3A_995 = tpu.vector_load %arg5[%get3A_993, %get3A_994] {strides = array<i32>} : memref<4x128xi32, #tpu.memory_space<vmem>>, vector<1x16xi32>,
    %get3A_996 = vector.shape_cast %get3A_995 : vector<1x16xi32> to vector<16xi32>
    %iota3A_997 = tpu.iota {dimensions = array<i32: 0>} : vector<16xi32>
    %add3A_998 = arith.constant 80 : i32
    %add3A_999 = vector.broadcast %add3A_998 : i32 to vector<16xi32>
    %add3A_1000 = arith.addi %add3A_999, %iota3A_997 : vector<16xi32>
    %shift_right_arithmetic3A_1001 = arith.constant 3 : i32
    %shift_right_arithmetic3A_1002 = vector.broadcast %shift_right_arithmetic3A_1001 : i32 to vector<16xi32>
    %shift_right_arithmetic3A_1003 = arith.shrsi %get3A_996, %shift_right_arithmetic3A_1002 : vector<16xi32>
    %mul3A_1004 = arith.constant 131072 : i32
    %mul3A_1005 = vector.broadcast %mul3A_1004 : i32 to vector<16xi32>
    %mul3A_1006 = arith.muli %shift_right_arithmetic3A_1003, %mul3A_1005 : vector<16xi32>
    %mul3A_1007 = arith.constant 1024 : i32
    %mul3A_1008 = arith.muli %add3A_826, %mul3A_1007 : i32
    %add3A_1009 = vector.broadcast %mul3A_1008 : i32 to vector<16xi32>
    %add3A_1010 = arith.addi %mul3A_1006, %add3A_1009 : vector<16xi32>
    %and3A_1011 = arith.constant 7 : i32
    %and3A_1012 = vector.broadcast %and3A_1011 : i32 to vector<16xi32>
    %and3A_1013 = arith.andi %get3A_996, %and3A_1012 : vector<16xi32>
    %mul3A_1014 = arith.constant 128 : i32
    %mul3A_1015 = vector.broadcast %mul3A_1014 : i32 to vector<16xi32>
    %mul3A_1016 = arith.muli %and3A_1013, %mul3A_1015 : vector<16xi32>
    %add3A_1017 = arith.addi %add3A_1010, %mul3A_1016 : vector<16xi32>
    %add3A_1018 = arith.addi %add3A_1017, %add3A_1000 : vector<16xi32>
    %swap3A_1019 = arith.constant 3 : i32
    %swap3A_1020 = arith.index_cast %swap3A_1019 : i32 to index
    %swap3A_1021 = arith.constant 80 : index
    %swap3A_1022 = tpu.vector_load %arg6[%swap3A_1020, %swap3A_1021] {strides = array<i32>} : memref<4x128xi32, #tpu.memory_space<vmem>>, vector<1x16xi32>,
    %swap3A_1023 = vector.shape_cast %swap3A_1022 : vector<1x16xi32> to vector<16xi32>
    %swap3A_1024 = vector.shape_cast %add3A_1018 : vector<16xi32> to vector<1x16xi32>
    tpu.vector_store %arg6[%swap3A_1020, %swap3A_1021], %swap3A_1024 {strides = array<i32>} : memref<4x128xi32, #tpu.memory_space<vmem>>, vector<1x16xi32>,
    %get3A_1025 = arith.constant 3 : i32
    %get3A_1026 = arith.index_cast %get3A_1025 : i32 to index
    %get3A_1027 = arith.constant 96 : index
    %get3A_1028 = tpu.vector_load %arg5[%get3A_1026, %get3A_1027] {strides = array<i32>} : memref<4x128xi32, #tpu.memory_space<vmem>>, vector<1x16xi32>,
    %get3A_1029 = vector.shape_cast %get3A_1028 : vector<1x16xi32> to vector<16xi32>
    %iota3A_1030 = tpu.iota {dimensions = array<i32: 0>} : vector<16xi32>
    %add3A_1031 = arith.constant 96 : i32
    %add3A_1032 = vector.broadcast %add3A_1031 : i32 to vector<16xi32>
    %add3A_1033 = arith.addi %add3A_1032, %iota3A_1030 : vector<16xi32>
    %shift_right_arithmetic3A_1034 = arith.constant 3 : i32
    %shift_right_arithmetic3A_1035 = vector.broadcast %shift_right_arithmetic3A_1034 : i32 to vector<16xi32>
    %shift_right_arithmetic3A_1036 = arith.shrsi %get3A_1029, %shift_right_arithmetic3A_1035 : vector<16xi32>
    %mul3A_1037 = arith.constant 131072 : i32
    %mul3A_1038 = vector.broadcast %mul3A_1037 : i32 to vector<16xi32>
    %mul3A_1039 = arith.muli %shift_right_arithmetic3A_1036, %mul3A_1038 : vector<16xi32>
    %mul3A_1040 = arith.constant 1024 : i32
    %mul3A_1041 = arith.muli %add3A_826, %mul3A_1040 : i32
    %add3A_1042 = vector.broadcast %mul3A_1041 : i32 to vector<16xi32>
    %add3A_1043 = arith.addi %mul3A_1039, %add3A_1042 : vector<16xi32>
    %and3A_1044 = arith.constant 7 : i32
    %and3A_1045 = vector.broadcast %and3A_1044 : i32 to vector<16xi32>
    %and3A_1046 = arith.andi %get3A_1029, %and3A_1045 : vector<16xi32>
    %mul3A_1047 = arith.constant 128 : i32
    %mul3A_1048 = vector.broadcast %mul3A_1047 : i32 to vector<16xi32>
    %mul3A_1049 = arith.muli %and3A_1046, %mul3A_1048 : vector<16xi32>
    %add3A_1050 = arith.addi %add3A_1043, %mul3A_1049 : vector<16xi32>
    %add3A_1051 = arith.addi %add3A_1050, %add3A_1033 : vector<16xi32>
    %swap3A_1052 = arith.constant 3 : i32
    %swap3A_1053 = arith.index_cast %swap3A_1052 : i32 to index
    %swap3A_1054 = arith.constant 96 : index
    %swap3A_1055 = tpu.vector_load %arg6[%swap3A_1053, %swap3A_1054] {strides = array<i32>} : memref<4x128xi32, #tpu.memory_space<vmem>>, vector<1x16xi32>,
    %swap3A_1056 = vector.shape_cast %swap3A_1055 : vector<1x16xi32> to vector<16xi32>
    %swap3A_1057 = vector.shape_cast %add3A_1051 : vector<16xi32> to vector<1x16xi32>
    tpu.vector_store %arg6[%swap3A_1053, %swap3A_1054], %swap3A_1057 {strides = array<i32>} : memref<4x128xi32, #tpu.memory_space<vmem>>, vector<1x16xi32>,
    %get3A_1058 = arith.constant 3 : i32
    %get3A_1059 = arith.index_cast %get3A_1058 : i32 to index
    %get3A_1060 = arith.constant 112 : index
    %get3A_1061 = tpu.vector_load %arg5[%get3A_1059, %get3A_1060] {strides = array<i32>} : memref<4x128xi32, #tpu.memory_space<vmem>>, vector<1x16xi32>,
    %get3A_1062 = vector.shape_cast %get3A_1061 : vector<1x16xi32> to vector<16xi32>
    %iota3A_1063 = tpu.iota {dimensions = array<i32: 0>} : vector<16xi32>
    %add3A_1064 = arith.constant 112 : i32
    %add3A_1065 = vector.broadcast %add3A_1064 : i32 to vector<16xi32>
    %add3A_1066 = arith.addi %add3A_1065, %iota3A_1063 : vector<16xi32>
    %shift_right_arithmetic3A_1067 = arith.constant 3 : i32
    %shift_right_arithmetic3A_1068 = vector.broadcast %shift_right_arithmetic3A_1067 : i32 to vector<16xi32>
    %shift_right_arithmetic3A_1069 = arith.shrsi %get3A_1062, %shift_right_arithmetic3A_1068 : vector<16xi32>
    %mul3A_1070 = arith.constant 131072 : i32
    %mul3A_1071 = vector.broadcast %mul3A_1070 : i32 to vector<16xi32>
    %mul3A_1072 = arith.muli %shift_right_arithmetic3A_1069, %mul3A_1071 : vector<16xi32>
    %mul3A_1073 = arith.constant 1024 : i32
    %mul3A_1074 = arith.muli %add3A_826, %mul3A_1073 : i32
    %add3A_1075 = vector.broadcast %mul3A_1074 : i32 to vector<16xi32>
    %add3A_1076 = arith.addi %mul3A_1072, %add3A_1075 : vector<16xi32>
    %and3A_1077 = arith.constant 7 : i32
    %and3A_1078 = vector.broadcast %and3A_1077 : i32 to vector<16xi32>
    %and3A_1079 = arith.andi %get3A_1062, %and3A_1078 : vector<16xi32>
    %mul3A_1080 = arith.constant 128 : i32
    %mul3A_1081 = vector.broadcast %mul3A_1080 : i32 to vector<16xi32>
    %mul3A_1082 = arith.muli %and3A_1079, %mul3A_1081 : vector<16xi32>
    %add3A_1083 = arith.addi %add3A_1076, %mul3A_1082 : vector<16xi32>
    %add3A_1084 = arith.addi %add3A_1083, %add3A_1066 : vector<16xi32>
    %swap3A_1085 = arith.constant 3 : i32
    %swap3A_1086 = arith.index_cast %swap3A_1085 : i32 to index
    %swap3A_1087 = arith.constant 112 : index
    %swap3A_1088 = tpu.vector_load %arg6[%swap3A_1086, %swap3A_1087] {strides = array<i32>} : memref<4x128xi32, #tpu.memory_space<vmem>>, vector<1x16xi32>,
    %swap3A_1089 = vector.shape_cast %swap3A_1088 : vector<1x16xi32> to vector<16xi32>
    %swap3A_1090 = vector.shape_cast %add3A_1084 : vector<16xi32> to vector<1x16xi32>
    tpu.vector_store %arg6[%swap3A_1086, %swap3A_1087], %swap3A_1090 {strides = array<i32>} : memref<4x128xi32, #tpu.memory_space<vmem>>, vector<1x16xi32>,
    %dma_start3A_1091 = arith.constant 3 : i32
    %dma_start3A_1092 = arith.constant 3 : i32
    %dma_start3A_1093 = arith.constant 0 : i32
    %dma_start3A_1094 = tpu.memref_slice %arg7[%dma_start3A_1092, %dma_start3A_1093] : memref<4x128xf32, #tpu.memory_space<vmem>> -> memref<1x128xf32, #tpu.memory_space<vmem>>
    %dma_start3A_1095 = tpu.memref_squeeze %dma_start3A_1094 : memref<1x128xf32, #tpu.memory_space<vmem>> -> memref<128xf32, #tpu.memory_space<vmem>>
    %dma_start3A_1096 = arith.constant 0 : i32
    %dma_start3A_1097 = tpu.memref_slice %arg6[%dma_start3A_1091, %dma_start3A_1096] : memref<4x128xi32, #tpu.memory_space<vmem>> -> memref<1x128xi32, #tpu.memory_space<vmem>>
    %dma_start3A_1098 = tpu.memref_squeeze %dma_start3A_1097 : memref<1x128xi32, #tpu.memory_space<vmem>> -> memref<128xi32, #tpu.memory_space<vmem>>
    %dma_start3A_1099 = arith.constant 0 : i32
    %dma_start3A_1100 = tpu.memref_slice %arg2[%dma_start3A_1099] : memref<16384000xf32, #tpu.memory_space<hbm>> -> memref<16384000xf32, #tpu.memory_space<hbm>>
    tpu.enqueue_indirect_dma source(%dma_start3A_1100 : memref<16384000xf32, #tpu.memory_space<hbm>>) target(%dma_start3A_1095 : memref<128xf32, #tpu.memory_space<vmem>>) offsets(%dma_start3A_1098 : memref<128xi32, #tpu.memory_space<vmem>>) semaphore(%arg8 : memref<!tpu.dma_semaphore, #tpu.memory_space<semaphore_mem>>)
    %dma_wait3A = arith.constant 0 : i32
    %dma_wait3A_1101 = arith.constant 0 : i32
    %dma_wait3A_1102 = arith.constant 0 : i32
    %dma_wait3A_1103 = tpu.memref_slice %arg7[%dma_wait3A_1101, %dma_wait3A_1102] : memref<4x128xf32, #tpu.memory_space<vmem>> -> memref<1x128xf32, #tpu.memory_space<vmem>>
    %dma_wait3A_1104 = tpu.memref_squeeze %dma_wait3A_1103 : memref<1x128xf32, #tpu.memory_space<vmem>> -> memref<128xf32, #tpu.memory_space<vmem>>
    %dma_wait3A_1105 = arith.constant 0 : i32
    %dma_wait3A_1106 = tpu.memref_slice %arg6[%dma_wait3A, %dma_wait3A_1105] : memref<4x128xi32, #tpu.memory_space<vmem>> -> memref<1x128xi32, #tpu.memory_space<vmem>>
    %dma_wait3A_1107 = tpu.memref_squeeze %dma_wait3A_1106 : memref<1x128xi32, #tpu.memory_space<vmem>> -> memref<128xi32, #tpu.memory_space<vmem>>
    %dma_wait3A_1108 = arith.constant 0 : i32
    %dma_wait3A_1109 = tpu.memref_slice %arg2[%dma_wait3A_1108] : memref<16384000xf32, #tpu.memory_space<hbm>> -> memref<16384000xf32, #tpu.memory_space<hbm>>
    tpu.wait_indirect_dma semaphore(%arg8 : memref<!tpu.dma_semaphore, #tpu.memory_space<semaphore_mem>>) src(%dma_wait3A_1109 : memref<16384000xf32, #tpu.memory_space<hbm>>) dst(%dma_wait3A_1104 : memref<128xf32, #tpu.memory_space<vmem>>)
    %dma_wait3A_1110 = arith.constant 1 : i32
    %dma_wait3A_1111 = arith.constant 1 : i32
    %dma_wait3A_1112 = arith.constant 0 : i32
    %dma_wait3A_1113 = tpu.memref_slice %arg7[%dma_wait3A_1111, %dma_wait3A_1112] : memref<4x128xf32, #tpu.memory_space<vmem>> -> memref<1x128xf32, #tpu.memory_space<vmem>>
    %dma_wait3A_1114 = tpu.memref_squeeze %dma_wait3A_1113 : memref<1x128xf32, #tpu.memory_space<vmem>> -> memref<128xf32, #tpu.memory_space<vmem>>
    %dma_wait3A_1115 = arith.constant 0 : i32
    %dma_wait3A_1116 = tpu.memref_slice %arg6[%dma_wait3A_1110, %dma_wait3A_1115] : memref<4x128xi32, #tpu.memory_space<vmem>> -> memref<1x128xi32, #tpu.memory_space<vmem>>
    %dma_wait3A_1117 = tpu.memref_squeeze %dma_wait3A_1116 : memref<1x128xi32, #tpu.memory_space<vmem>> -> memref<128xi32, #tpu.memory_space<vmem>>
    %dma_wait3A_1118 = arith.constant 0 : i32
    %dma_wait3A_1119 = tpu.memref_slice %arg2[%dma_wait3A_1118] : memref<16384000xf32, #tpu.memory_space<hbm>> -> memref<16384000xf32, #tpu.memory_space<hbm>>
    tpu.wait_indirect_dma semaphore(%arg8 : memref<!tpu.dma_semaphore, #tpu.memory_space<semaphore_mem>>) src(%dma_wait3A_1119 : memref<16384000xf32, #tpu.memory_space<hbm>>) dst(%dma_wait3A_1114 : memref<128xf32, #tpu.memory_space<vmem>>)
    %dma_wait3A_1120 = arith.constant 2 : i32
    %dma_wait3A_1121 = arith.constant 2 : i32
    %dma_wait3A_1122 = arith.constant 0 : i32
    %dma_wait3A_1123 = tpu.memref_slice %arg7[%dma_wait3A_1121, %dma_wait3A_1122] : memref<4x128xf32, #tpu.memory_space<vmem>> -> memref<1x128xf32, #tpu.memory_space<vmem>>
    %dma_wait3A_1124 = tpu.memref_squeeze %dma_wait3A_1123 : memref<1x128xf32, #tpu.memory_space<vmem>> -> memref<128xf32, #tpu.memory_space<vmem>>
    %dma_wait3A_1125 = arith.constant 0 : i32
    %dma_wait3A_1126 = tpu.memref_slice %arg6[%dma_wait3A_1120, %dma_wait3A_1125] : memref<4x128xi32, #tpu.memory_space<vmem>> -> memref<1x128xi32, #tpu.memory_space<vmem>>
    %dma_wait3A_1127 = tpu.memref_squeeze %dma_wait3A_1126 : memref<1x128xi32, #tpu.memory_space<vmem>> -> memref<128xi32, #tpu.memory_space<vmem>>
    %dma_wait3A_1128 = arith.constant 0 : i32
    %dma_wait3A_1129 = tpu.memref_slice %arg2[%dma_wait3A_1128] : memref<16384000xf32, #tpu.memory_space<hbm>> -> memref<16384000xf32, #tpu.memory_space<hbm>>
    tpu.wait_indirect_dma semaphore(%arg8 : memref<!tpu.dma_semaphore, #tpu.memory_space<semaphore_mem>>) src(%dma_wait3A_1129 : memref<16384000xf32, #tpu.memory_space<hbm>>) dst(%dma_wait3A_1124 : memref<128xf32, #tpu.memory_space<vmem>>)
    %dma_wait3A_1130 = arith.constant 3 : i32
    %dma_wait3A_1131 = arith.constant 3 : i32
    %dma_wait3A_1132 = arith.constant 0 : i32
    %dma_wait3A_1133 = tpu.memref_slice %arg7[%dma_wait3A_1131, %dma_wait3A_1132] : memref<4x128xf32, #tpu.memory_space<vmem>> -> memref<1x128xf32, #tpu.memory_space<vmem>>
    %dma_wait3A_1134 = tpu.memref_squeeze %dma_wait3A_1133 : memref<1x128xf32, #tpu.memory_space<vmem>> -> memref<128xf32, #tpu.memory_space<vmem>>
    %dma_wait3A_1135 = arith.constant 0 : i32
    %dma_wait3A_1136 = tpu.memref_slice %arg6[%dma_wait3A_1130, %dma_wait3A_1135] : memref<4x128xi32, #tpu.memory_space<vmem>> -> memref<1x128xi32, #tpu.memory_space<vmem>>
    %dma_wait3A_1137 = tpu.memref_squeeze %dma_wait3A_1136 : memref<1x128xi32, #tpu.memory_space<vmem>> -> memref<128xi32, #tpu.memory_space<vmem>>
    %dma_wait3A_1138 = arith.constant 0 : i32
    %dma_wait3A_1139 = tpu.memref_slice %arg2[%dma_wait3A_1138] : memref<16384000xf32, #tpu.memory_space<hbm>> -> memref<16384000xf32, #tpu.memory_space<hbm>>
    tpu.wait_indirect_dma semaphore(%arg8 : memref<!tpu.dma_semaphore, #tpu.memory_space<semaphore_mem>>) src(%dma_wait3A_1139 : memref<16384000xf32, #tpu.memory_space<hbm>>) dst(%dma_wait3A_1134 : memref<128xf32, #tpu.memory_space<vmem>>)
    "tpu.region"() ({
      %run_scoped3A = tpu.sem_alloc : memref<!tpu.dma_semaphore, #tpu.memory_space<semaphore_mem>>
      %dma_start3A_1140 = arith.constant 0 : i32
      %dma_start3A_1141 = tpu.memref_slice %arg4[%mul3A_2, %dma_start3A_1140] : memref<128x128xf32, #tpu.memory_space<hbm>> -> memref<4x128xf32, #tpu.memory_space<hbm>>
      %dma_start3A_1142 = arith.constant 0 : i32
      %dma_start3A_1143 = tpu.memref_slice %arg4[%mul3A_2, %dma_start3A_1142] : memref<128x128xf32, #tpu.memory_space<hbm>> -> memref<4x128xf32, #tpu.memory_space<hbm>>
      tpu.enqueue_dma source(%arg7 : memref<4x128xf32, #tpu.memory_space<vmem>>) target(%dma_start3A_1143 : memref<4x128xf32, #tpu.memory_space<hbm>>) target_semaphore(%run_scoped3A : memref<!tpu.dma_semaphore, #tpu.memory_space<semaphore_mem>>)
      %dma_wait3A_1144 = arith.constant 0 : i32
      %dma_wait3A_1145 = tpu.memref_slice %arg4[%mul3A_2, %dma_wait3A_1144] : memref<128x128xf32, #tpu.memory_space<hbm>> -> memref<4x128xf32, #tpu.memory_space<hbm>>
      %dma_wait3A_1146 = arith.constant 0 : i32
      %dma_wait3A_1147 = tpu.memref_slice %arg4[%mul3A_2, %dma_wait3A_1146] : memref<128x128xf32, #tpu.memory_space<hbm>> -> memref<4x128xf32, #tpu.memory_space<hbm>>
      tpu.wait_dma2 semaphore(%run_scoped3A : memref<!tpu.dma_semaphore, #tpu.memory_space<semaphore_mem>>) src(%arg7 : memref<4x128xf32, #tpu.memory_space<vmem>>) dst(%dma_wait3A_1147 : memref<4x128xf32, #tpu.memory_space<hbm>>)
      tpu.yield
    }) : () -> ()
    return
  }
}

</mosaic_0001>

<sc_bundles>
// kernel: _identity_loss.3.cloned.1.call-start
scs
__scs_entry_jumppad:
0x0: {  	(pc) =	sbr.rel $0x88, $3  }
0x1: {  	(tag) =	ssettag $0x0;
	lr =	simm.s32 $0x1  }
0x2: {  	[smem:$0x3F9F] =	sst lr;
	_ =	strace $0xD0000000  }
0x3: {  	_ = 	snop  }
0x4: {  	_ = 	snop  }
0x5: {  	_ = 	snop  }
0x6: {  	_ = 	snop  }
0x7: {  	_ = 	snop  }
__scs_overlays_trampoline_lowered:
0x8: {  	[smem:$0x3FAE] =	sst s0  }
0x9: {  	[smem:$0x3FAF] =	sst s1  }
0xa: {  	[smem:$0x3FB0] =	sst s2  }
0xb: {  	[smem:$0x3FB1] =	sst s3  }
0xc: {  	[smem:$0x3FB2] =	sst s4  }
0xd: {  	[smem:$0x3FB3] =	sst s5  }
0xe: {  	[smem:$0x3FB4] =	sst s6  }
0xf: {  	[smem:$0x3FB5] =	sst s7  }
0x10: {  	[smem:$0x3FB6] =	sst s8  }
0x11: {  	[smem:$0x3FB7] =	sst s9;
	s0 =	simm.s32 @!p0 $0x0  }
0x12: {  	s1 =	sld [smem:$0x3F9D];
	s0 =	simm.s32 @p0 $0x1  }
0x13: {  	[smem:$0x3FB8] =	sst s0;
	s0 =	simm.s32 @!p1 $0x0  }
0x14: {  	s2 =	sld [smem:$0x3F9C];
	s0 =	simm.s32 @p1 $0x1  }
0x15: {  	[smem:$0x3FB9] =	sst s0;
	s0 =	simm.s32 @!p2 $0x0  }
0x16: {  	s3 =	sld [smem:$0x3FDB];
	s0 =	simm.s32 @p2 $0x1  }
0x17: {  	s4 =	simm.s32 $0x1BF5;
	[smem:$0x3FBB] =	sst s0  }
0x18: {  	s0 =	sld [smem:$0x3F9E];
	_ =	swait.ge [sflag:s4], $0x0  }
0x19: {  	s7 =	sld [smem:$0x3F9F]  }
0x1a: {  	s8 =	sadd.s32 $0xFFFFE003, lr  }
0x1b: {  	s9 =	sadd.s32 $0xFFFFFEF7, lr;
	s5 =	simm.s32 $0xFFFFFFFF;
	p2 =	slt.u32 s8, $0xFFFFF086  }
0x1c: {  	p1 =	slt.u32 s9, $0xF7A;
	s5 =	simm.s32 @!p2 $0x0  }
0x1d: {  	s5 =	simm.s32 @p1 $0x1;
	p0 =	seq.s32 s7, s2  }
0x1e: {  	s7 =	smul.u32 @!p0 $0xF7A, s2;
	p2 =	seq.s32 @!p0 s5, $0x0  }
0x1f: {  	s9 =	smul.u32 $0xF7A, s1;
	s8 =	simm.s32 @!p0 $0x1BF5;
	p2 =	por !p2, p0  }
0x20: {  	[sflag:s8] =	ssyncset.s32 @!p0 $0xFFFFF086;
	s6 =	sadd.s32 @!p0 s3, s7;
	s7 =	simm.s32 @!p0 $0x108  }
0x21: {  	s3 =	sadd.s32 s3, s9;
	s6 =	sadd.s32 @!p0 $0x88, s6;
	s7 =	simm.s32 @p2 $0x1082  }
0x22: {  	[simem:s7], [sflag:s8] =	dma.local @!p0 [hbm:s6], $0xF7A  }
0x23: {  	s9 =	sor.u32 $0xD0000000, s2;
	s6 =	simm.s32 $0x108;
	_ =	swait.ge @!p0 [sflag:s8], $0x0  }
0x24: {  	s3 =	sadd.s32 $0x88, s3;
	s6 =	simm.s32 @!p1 $0x1082;
	[sflag:s4] =	ssyncset.s32 $0xFFFFF086  }
0x25: {  	[simem:s6], [sflag:s4] =	dma.local [hbm:s3], $0xF7A  }
0x26: {  	[smem:$0x3F9F] =	sst s1;
	(tag) =	ssettag s2;
	_ =	strace s9  }
0x27: {  	s1 =	sld [smem:$0x3FAF]  }
0x28: {  	s2 =	sld [smem:$0x3FB0]  }
0x29: {  	s4 =	sld [smem:$0x3FB2]  }
0x2a: {  	p0 =	seq.s32 s5, $0x0;
	s5 =	sld [smem:$0x3FB3]  }
0x2b: {  	s6 =	sld [smem:$0x3FB4]  }
0x2c: {  	s7 =	sld [smem:$0x3FB5]  }
0x2d: {  	s3 =	simm.s32 $0x108;
	s8 =	sld [smem:$0x3FB6]  }
0x2e: {  	s3 =	simm.s32 @!p0 $0x1082;
	s9 =	sld [smem:$0x3FB7]  }
0x2f: {  	lr =	sadd.s32 s0, s3;
	s0 =	sld [smem:$0x3FAE]  }
0x30: {  	s3 =	sld [smem:$0x3FB1]  }
0x31: {  	[smem:$0x3FBA] =	sst s10  }
0x32: {  	s10 =	sld [smem:$0x3FB8];
	_ =	sdelay $0x3  }
0x33: {  	p0 =	seq.s32 s10, $0x1;
	s10 =	sld [smem:$0x3FBA];
	_ =	sdelay $0x3  }
0x34: {  	[smem:$0x3FBA] =	sst s10  }
0x35: {  	s10 =	sld [smem:$0x3FB9];
	_ =	sdelay $0x3  }
0x36: {  	p1 =	seq.s32 s10, $0x1;
	s10 =	sld [smem:$0x3FBA];
	_ =	sdelay $0x3  }
0x37: {  	[smem:$0x3FBA] =	sst s10  }
0x38: {  	s10 =	sld [smem:$0x3FBB]  }
0x39: {  	_ = 	snop;
	(pc) =	sbr.ind lr, $3  }
0x3a: {  	_ = 	snop  }
0x3b: {  	_ = 	snop  }
0x3c: {  	p2 =	seq.s32 s10, $0x1;
	s10 =	sld [smem:$0x3FBA]  }
0x3d: {  	_ =	shalt  }
0x3e: {  	_ =	shalt  }
0x3f: {  	_ =	shalt  }
0x40: {  	_ =	shalt  }
0x41: {  	_ =	shalt  }
0x42: {  	_ =	shalt  }
0x43: {  	_ =	shalt  }
0x44: {  	_ =	shalt  }
0x45: {  	_ =	shalt  }
0x46: {  	_ =	shalt  }
0x47: {  	_ =	shalt  }
0x48: {  	_ =	shalt  }
0x49: {  	_ =	shalt  }
0x4a: {  	_ =	shalt  }
0x4b: {  	_ =	shalt  }
0x4c: {  	_ =	shalt  }
0x4d: {  	_ =	shalt  }
0x4e: {  	_ =	shalt  }
0x4f: {  	_ =	shalt  }
0x50: {  	_ =	shalt  }
0x51: {  	_ =	shalt  }
0x52: {  	_ =	shalt  }
0x53: {  	_ =	shalt  }
0x54: {  	_ =	shalt  }
0x55: {  	_ =	shalt  }
0x56: {  	_ =	shalt  }
0x57: {  	_ =	shalt  }
0x58: {  	_ =	shalt  }
0x59: {  	_ =	shalt  }
0x5a: {  	_ =	shalt  }
0x5b: {  	_ =	shalt  }
0x5c: {  	_ =	shalt  }
0x5d: {  	_ =	shalt  }
0x5e: {  	_ =	shalt  }
0x5f: {  	_ =	shalt  }
0x60: {  	_ =	shalt  }
0x61: {  	_ =	shalt  }
0x62: {  	_ =	shalt  }
0x63: {  	_ =	shalt  }
0x64: {  	_ =	shalt  }
0x65: {  	_ =	shalt  }
0x66: {  	_ =	shalt  }
0x67: {  	_ =	shalt  }
0x68: {  	_ =	shalt  }
0x69: {  	_ =	shalt  }
0x6a: {  	_ =	shalt  }
0x6b: {  	_ =	shalt  }
0x6c: {  	_ =	shalt  }
0x6d: {  	_ =	shalt  }
0x6e: {  	_ =	shalt  }
0x6f: {  	_ =	shalt  }
0x70: {  	_ =	shalt  }
0x71: {  	_ =	shalt  }
0x72: {  	_ =	shalt  }
0x73: {  	_ =	shalt  }
0x74: {  	_ =	shalt  }
0x75: {  	_ =	shalt  }
0x76: {  	_ =	shalt  }
0x77: {  	_ =	shalt  }
0x78: {  	_ =	shalt  }
0x79: {  	_ =	shalt  }
0x7a: {  	_ =	shalt  }
0x7b: {  	_ =	shalt  }
0x7c: {  	_ =	shalt  }
0x7d: {  	_ =	shalt  }
0x7e: {  	_ =	shalt  }
0x7f: {  	_ =	shalt  }
0x80: {  	_ =	shalt  }
0x81: {  	_ =	shalt  }
0x82: {  	_ =	shalt  }
0x83: {  	_ =	shalt  }
0x84: {  	_ =	shalt  }
0x85: {  	_ =	shalt  }
0x86: {  	_ =	shalt  }
0x87: {  	_ =	shalt  }
.Lfunc_end0:
.L_simem_size_0:
called_computation_lowered:
.L_overlay_start_0:
0x88: {  	s2 =	sld [smem:$0x3FD9]  }
0x89: {  	s3 =	sld [smem:$0x3FFE];
	_ =	sdelay $0x1  }
0x8a: {  	s1 =	srdreg.scid  }
0x8b: {  	s0 =	sand.u32 $0x1, s1  }
0x8c: {  	s18 =	sshll.u32 s0, $0xA;
	s2 =	sadd.s32 s3, s2  }
0x8d: {  	s2 =	sadd.s32 s2, s18  }
0x8e: {  	[smem:$0x3FC6] =	sst s2  }
0x8f: {  	_ = 	snop  }
0x90: {  	s2 =	sld [smem:$0x3FC9]  }
0x91: {  	s19 =	sld [smem:$0x3FC8]  }
0x92: {  	s4 =	sld [smem:$0x3FD0];
	(tm) =	ssettm $0x1  }
0x93: {  	s5 =	sld [smem:$0x3FFB];
	_ =	sdelay $0x3  }
0x94: {  	_ =	strace s5  }
0x95: {  	s5 =	sld [smem:$0x3FFC];
	_ =	sdelay $0x3  }
0x96: {  	_ =	strace s5  }
0x97: {  	s5 =	sld [smem:$0x3FFD];
	_ =	sdelay $0x3  }
0x98: {  	_ =	strace s5  }
0x99: {  	_ =	strace $0x8FFFFFFF  }
0x9a: {  	s20 =	sld [smem:$0x3FDB];
	_ =	sdelay $0x1  }
0x9b: {  	s6 =	simm.s32 $_scs_section_size  }
0x9c: {  	s7 =	simm.s32 $_size__tile_overlayer_lowered;
	s8 =	simm.s32 $_tile_overlayer_lowered  }
0x9d: {  	s23 =	simm.s32 $0x1BFF;
	s22 =	sshll.u32 s8, $0x1;
	s5 =	sadd.s32 s6, s20  }
0x9e: {  	s9 =	simm.s32 $0x0;
	s21 =	sshll.u32 s7, $0x1;
	s7 =	sadd.s32 s22, s5  }
0x9f: {  	[timem:s9], [sflag:s23] =	dma.local [hbm:s7], s21  }
0xa0: {  	_ =	swait.ge [sflag:s23], s21  }
0xa1: {  	s6 =	ssub.s32 $0x0, s21;
	[sflag:s23] =	ssyncset.done $0x0  }
0xa2: {  	[sflag:s23] =	ssyncadd.s32 s6;
	_ =	sdelay $0x1  }
0xa3: {  	s24 =	simm.s32 $0x1B8B  }
0xa4: {  	_ =	swait.ge [sflag:s24], $0x1  }
0xa5: {  	[sflag:s24] =	ssyncset.done $0x0  }
0xa6: {  	s25 =	simm.s32 $0x1B8E;
	[sflag:s24] =	ssyncadd.s32 $0xFFFFFFFF  }
0xa7: {  	s26 =	simm.s32 $execute0_lowered;
	[smem:$0x3FD2] =	sst s25  }
0xa8: {  	s6 =	sshll.u32 s26, $0x1;
	_ =	strace $0x80000046;
	[dreg:$0x1] =	wrdreg $0xFFFFFFFF  }
0xa9: {  	s28 =	simm.s32 $_size_execute0_lowered;
	s5 =	sadd.s32 s5, s6;
	[dreg:$0x0] =	wrdreg $0x0  }
0xaa: {  	s6 =	sshll.u32 s28, $0x1;
	[dreg:$0x2] =	wrdreg s5  }
0xab: {  	[dreg:$0x3] =	wrdreg s6  }
0xac: {  	[dreg:$0x4] =	wrdreg $0xC0  }
0xad: {  	_ =	task [dreg:s9], $0x5FFFF  }
0xae: {  	[dreg:$0x1] =	wrdreg $0xFFFFFFFF  }
0xaf: {  	[dreg:$0x0] =	wrdreg $0x60  }
0xb0: {  	[dreg:$0x2] =	wrdreg s2  }
0xb1: {  	[dreg:$0x3] =	wrdreg s19  }
0xb2: {  	[dreg:$0x4] =	wrdreg s4  }
0xb3: {  	[dreg:$0x5] =	wrdreg $0x9  }
0xb4: {  	_ =	task.clear_ibuf [dreg:s9], $0x6FFFF;
	_ =	strace $0x90000046  }
0xb5: {  	s29 =	simm.s32 $0x9;
	_ =	strace $0x80000048  }
0xb6: {  	_ =	swait.ge [sflag:s29], $0x1  }
0xb7: {  	[sflag:s29] =	ssyncadd.s32 $0xFFFFFFFF  }
0xb8: {  	_ =	strace $0x90000048  }
0xb9: {  	_ =	sfence  }
0xba: {  	s30 =	sld [smem:$0x0];
	_ =	sdelay $0x2  }
0xbb: {  	s31 =	sshll.u32 s1, $0xD;
	s1 =	sshrl.u32 s1, $0x2  }
0xbc: {  	s3 =	sand.u32 $0x4000, s31;
	s1 =	sadd.s32 s1, s30  }
0xbd: {  	s0 =	sor.u32 s3, s0;
	s1 =	sshll.u32 s1, $0x11  }
0xbe: {  	s0 =	sor.u32 s1, s0  }
0xbf: {  	s0 =	sadd.s32 $0x8F2B, s0  }
0xc0: {  	[sflag:s0] =	ssyncadd.remote.s32 $0x1  }
0xc1: {  	_ =	sfence.sel $0xFFFF  }
0xc2: {  	[dreg:$0x0] =	wrdreg $0xFFFFFFFF;
	(pc) =	sbr.abs _section_cstart, $3  }
0xc3: {  	[dreg:$0x1] =	wrdreg $0xFFFFFFFF  }
0xc4: {  	_ =	task.clear_ibuf [dreg:s9], $0x2FFFF;
	_ =	strace $0x9FFFFFFF  }
0xc5: {  	(tm) =	ssettm $0x7FFFFFFF  }
tec
execute0_lowered:
.L_overlay_start_1:
0x0: {  	(tag) =	ssettag $0x1  }
0x1: {  	s1 =	srdreg.scid  }
0x2: {  	s0 =	stileid.u32;
	v24 =	vlaneseq.u32;
	s4 =	sand.u32 $0x1, s1  }
0x3: {  	s30 =	sshll.u32 s0, $0xD;
	v25 =	vor.u32 $0x10, v24;
	v26 =	vor.u32 $0x20, v24;
	v27 =	vor.u32 $0x30, v24;
	s2 =	sshll.u32 s4, $0xC  }
0x4: {  	v28 =	vor.u32 $0x40, v24;
	v29 =	vor.u32 $0x50, v24;
	v30 =	vor.u32 $0x60, v24;
	s5 =	sor.u32 s2, s30  }
0x5: {  	s6 =	rddreg [dreg:$0x1];
	v31 =	vor.u32 $0x70, v24;
	v0 =	vor.u32 s5, v24;
	v1 =	vor.u32 s5, v25  }
0x6: {  	s7 =	rddreg [dreg:$0x2];
	s3 =	simm.s32 $0x0;
	v2 =	vor.u32 s5, v26;
	v3 =	vor.u32 s5, v27;
	v4 =	vor.u32 s5, v28  }
0x7: {  	s13 =	simm.s32 $0x300;
	s14 =	simm.s32 $0x500;
	v5 =	vor.u32 s5, v29;
	v6 =	vor.u32 s5, v30;
	v7 =	vor.u32 s5, v31;
	s9 =	sor.u32 $0x400, s5  }
0x8: {  	s16 =	simm.s32 $0x580;
	s17 =	simm.s32 $0x1;
	s1 =	rddreg [dreg:$0x0];
	v8 =	vor.u32 s9, v24;
	v9 =	vor.u32 s9, v25;
	v10 =	vor.u32 s9, v26  }
0x9: {  	[smem:$0x7FF] =	sst s3;
	s11 =	sshll.u32 s0, $0x7;
	s12 =	sor.u32 $0x800, s5;
	v11 =	vor.u32 s9, v27;
	v12 =	vor.u32 s9, v28;
	v13 =	vor.u32 s9, v29  }
0xa: {  	s8 =	ssub.s32 $0x2, s4;
	s4 =	sshll.u32 s4, $0x6;
	s2 =	rddreg [dreg:$0x3];
	v14 =	vor.u32 s9, v30;
	v15 =	vor.u32 s9, v31;
	v16 =	vor.u32 s12, v24  }
0xb: {  	s10 =	sshrl.u32 s8, $0x1;
	_ =	strace $0x80000047;
	s31 =	sor.u32 s4, s11;
	v17 =	vor.u32 s12, v25;
	v18 =	vor.u32 s12, v26;
	v19 =	vor.u32 s12, v27  }
0xc: {  	s11 =	simm.s32 $0x280;
	s8 =	ssub.s32 s8, s10;
	s15 =	sor.u32 $0xC00, s5;
	v20 =	vor.u32 s12, v28;
	v21 =	vor.u32 s12, v29;
	v22 =	vor.u32 s12, v30  }
0xd: {  	s4 =	sadd.s32 s6, s31;
	s5 =	sadd.s32 s7, s31;
	s7 =	simm.s32 $0x2;
	v23 =	vor.u32 s12, v31;
	v24 =	vor.u32 s15, v24;
	v25 =	vor.u32 s15, v25  }
0xe: {  	s10 =	simm.s32 $0x400;
	s6 =	smax.u32 s8, $0x1;
	s8 =	simm.s32 $0x80;
	v26 =	vor.u32 s15, v26;
	v27 =	vor.u32 s15, v27;
	v28 =	vor.u32 s15, v28  }
0xf: {  	s9 =	simm.s32 $0x200;
	s12 =	simm.s32 $0x480;
	v29 =	vor.u32 s15, v29;
	v30 =	vor.u32 s15, v30;
	v31 =	vor.u32 s15, v31;
	s15 =	simm.s32 $0x380  }
.LBB2_1:
0x10: {  	[tilespmem:s3], [sflag:$0x2] =	stream.linear.gather [hbm4b:s4+s3], $0x200, $0x38;
	[tilespmem:$0x600] =	vst v63  }
0x11: {  	_ =	swait.ge [sflag:s7], $0x200  }
0x12: {  	[sflag:s7] =	ssyncset.done $0x0  }
0x13: {  	[sflag:s7] =	ssyncadd.s32 $0xFFFFFE00  }
0x14: {  	v32 =	vld [tilespmem:$0x0]  }
0x15: {  	v33 =	vld [tilespmem:$0x10]  }
0x16: {  	v34 =	vld [tilespmem:$0x20]  }
0x17: {  	v36 =	vld [tilespmem:$0x30]  }
0x18: {  	v59 =	vld [tilespmem:$0x40]  }
0x19: {  	v38 =	vld [tilespmem:$0x50]  }
0x1a: {  	v63 =	vld [tilespmem:$0x60]  }
0x1b: {  	v40 =	vld [tilespmem:$0x70]  }
0x1c: {  	v35 =	vshll.u32 v32, $0xE;
	v32 =	vshll.u32 v32, $0x7  }
0x1d: {  	v37 =	vshll.u32 v33, $0x7;
	v33 =	vshll.u32 v33, $0xE;
	v60 =	vshll.u32 v34, $0xE  }
0x1e: {  	v34 =	vshll.u32 v34, $0x7;
	v39 =	vshll.u32 v36, $0x7;
	v36 =	vshll.u32 v36, $0xE  }
0x1f: {  	v44 =	vshll.u32 v59, $0xE;
	v41 =	vshll.u32 v38, $0x7;
	v46 =	vshll.u32 v38, $0xE  }
0x20: {  	v50 =	vshll.u32 v63, $0xE;
	v51 =	vshll.u32 v63, $0x7;
	v53 =	vshll.u32 v40, $0x7  }
0x21: {  	v55 =	vshll.u32 v40, $0xE;
	v35 =	vand.u32 $0xFFFE0000, v35;
	v32 =	vand.u32 $0x380, v32  }
0x22: {  	v37 =	vand.u32 $0x380, v37;
	v33 =	vand.u32 $0xFFFE0000, v33;
	v34 =	vand.u32 $0x380, v34  }
0x23: {  	v39 =	vand.u32 $0x380, v39;
	v61 =	vand.u32 $0xFFFE0000, v36;
	v36 =	vand.u32 $0xFFFE0000, v44  }
0x24: {  	v47 =	vand.u32 $0x380, v41;
	v48 =	vand.u32 $0xFFFE0000, v46;
	v32 =	vor.u32 v32, v0  }
0x25: {  	v52 =	vand.u32 $0x380, v51;
	v58 =	vor.u32 v37, v1;
	v32 =	vor.u32 v35, v32  }
0x26: {  	v34 =	vor.u32 v34, v2;
	v33 =	vor.u32 v33, v58;
	v35 =	vand.u32 $0xFFFE0000, v60;
	[tilespmem:$0x200] =	vst v32  }
0x27: {  	v62 =	vor.u32 v39, v3;
	v37 =	vshll.u32 v59, $0x7;
	v34 =	vor.u32 v35, v34;
	[tilespmem:$0x210] =	vst v33  }
0x28: {  	v49 =	vor.u32 v47, v5;
	v37 =	vand.u32 $0x380, v37;
	v35 =	vor.u32 v61, v62;
	[tilespmem:$0x220] =	vst v34  }
0x29: {  	v54 =	vor.u32 v52, v6;
	v45 =	vor.u32 v37, v4;
	v33 =	vor.u32 v48, v49;
	[tilespmem:$0x230] =	vst v35  }
0x2a: {  	v32 =	vor.u32 v36, v45;
	v34 =	vand.u32 $0xFFFE0000, v50;
	v36 =	vand.u32 $0x380, v53;
	[tilespmem:$0x250] =	vst v33  }
0x2b: {  	v56 =	vand.u32 $0xFFFE0000, v55;
	[tilespmem:$0x240] =	vst v32;
	v32 =	vor.u32 v34, v54;
	v57 =	vor.u32 v36, v7  }
0x2c: {  	[tilespmem:$0x260] =	vst v32;
	v58 =	vor.u32 v56, v57  }
0x2d: {  	[tilespmem:$0x270] =	vst v58  }
0x2e: {  	[tilespmem:s10], [sflag:$0x1] =	stream.indirect.gather [hbm4b:s1+s8], $0x1, s9, s8, $0xb8;
	[tilespmem:$0x600] =	vst v63  }
0x2f: {  	v59 =	vld [tilespmem:$0x80]  }
0x30: {  	v60 =	vld [tilespmem:$0x90]  }
0x31: {  	v61 =	vld [tilespmem:$0xA0]  }
0x32: {  	v63 =	vld [tilespmem:$0xB0]  }
0x33: {  	v44 =	vld [tilespmem:$0xC0]  }
0x34: {  	v46 =	vld [tilespmem:$0xD0]  }
0x35: {  	v50 =	vld [tilespmem:$0xE0]  }
0x36: {  	v52 =	vld [tilespmem:$0xF0]  }
0x37: {  	v62 =	vshll.u32 v59, $0xE;
	v32 =	vshll.u32 v59, $0x7  }
0x38: {  	v42 =	vshll.u32 v60, $0x7;
	v33 =	vshll.u32 v60, $0xE;
	v45 =	vshll.u32 v61, $0xE  }
0x39: {  	v34 =	vshll.u32 v61, $0x7;
	v47 =	vshll.u32 v63, $0x7;
	v36 =	vshll.u32 v63, $0xE  }
0x3a: {  	v51 =	vshll.u32 v44, $0xE;
	v53 =	vshll.u32 v46, $0x7;
	v55 =	vshll.u32 v46, $0xE  }
0x3b: {  	v59 =	vshll.u32 v50, $0xE;
	v60 =	vshll.u32 v50, $0x7;
	v41 =	vshll.u32 v52, $0xE  }
0x3c: {  	v35 =	vand.u32 $0xFFFE0000, v62;
	v32 =	vand.u32 $0x380, v32;
	v37 =	vand.u32 $0x380, v42  }
0x3d: {  	v33 =	vand.u32 $0xFFFE0000, v33;
	v34 =	vand.u32 $0x380, v34;
	v39 =	vand.u32 $0x380, v47  }
0x3e: {  	v48 =	vand.u32 $0xFFFE0000, v36;
	v36 =	vand.u32 $0xFFFE0000, v51;
	v56 =	vand.u32 $0x380, v53  }
0x3f: {  	v57 =	vand.u32 $0xFFFE0000, v55;
	v61 =	vand.u32 $0x380, v60;
	v32 =	vor.u32 v32, v8  }
0x40: {  	v62 =	vshll.u32 v52, $0x7;
	v43 =	vor.u32 v37, v9;
	v32 =	vor.u32 v35, v32  }
0x41: {  	v34 =	vor.u32 v34, v10;
	v33 =	vor.u32 v33, v43;
	v35 =	vand.u32 $0xFFFE0000, v45;
	[tilespmem:$0x280] =	vst v32  }
0x42: {  	v49 =	vor.u32 v39, v11;
	v37 =	vshll.u32 v44, $0x7;
	v34 =	vor.u32 v35, v34;
	[tilespmem:$0x290] =	vst v33  }
0x43: {  	v58 =	vor.u32 v56, v13;
	v37 =	vand.u32 $0x380, v37;
	v35 =	vor.u32 v48, v49;
	[tilespmem:$0x2A0] =	vst v34  }
0x44: {  	v63 =	vor.u32 v61, v14;
	v54 =	vor.u32 v37, v12;
	v33 =	vor.u32 v57, v58;
	[tilespmem:$0x2B0] =	vst v35  }
0x45: {  	v32 =	vor.u32 v36, v54;
	v34 =	vand.u32 $0xFFFE0000, v59;
	v36 =	vand.u32 $0x380, v62;
	[tilespmem:$0x2D0] =	vst v33  }
0x46: {  	v42 =	vand.u32 $0xFFFE0000, v41;
	[tilespmem:$0x2C0] =	vst v32;
	v32 =	vor.u32 v34, v63;
	v43 =	vor.u32 v36, v15  }
0x47: {  	[tilespmem:$0x2E0] =	vst v32;
	v44 =	vor.u32 v42, v43  }
0x48: {  	[tilespmem:$0x2F0] =	vst v44  }
0x49: {  	[tilespmem:s12], [sflag:$0x1] =	stream.indirect.gather [hbm4b:s1+s8], $0x1, s11, s8, $0xb8;
	[tilespmem:$0x600] =	vst v63  }
0x4a: {  	v45 =	vld [tilespmem:$0x100]  }
0x4b: {  	v46 =	vld [tilespmem:$0x110]  }
0x4c: {  	v47 =	vld [tilespmem:$0x120]  }
0x4d: {  	v49 =	vld [tilespmem:$0x130]  }
0x4e: {  	v52 =	vld [tilespmem:$0x140]  }
0x4f: {  	v54 =	vld [tilespmem:$0x150]  }
0x50: {  	v58 =	vld [tilespmem:$0x160]  }
0x51: {  	v48 =	vshll.u32 v45, $0xE;
	v32 =	vshll.u32 v45, $0x7  }
0x52: {  	v50 =	vshll.u32 v46, $0x7;
	v33 =	vshll.u32 v46, $0xE;
	v53 =	vshll.u32 v47, $0xE  }
0x53: {  	v34 =	vshll.u32 v47, $0x7;
	v55 =	vshll.u32 v49, $0x7;
	v36 =	vshll.u32 v49, $0xE  }
0x54: {  	v60 =	vld [tilespmem:$0x170];
	v59 =	vshll.u32 v52, $0xE;
	v61 =	vshll.u32 v54, $0x7;
	v63 =	vshll.u32 v54, $0xE  }
0x55: {  	v45 =	vshll.u32 v58, $0xE;
	v46 =	vshll.u32 v58, $0x7;
	v35 =	vand.u32 $0xFFFE0000, v48  }
0x56: {  	v32 =	vand.u32 $0x380, v32;
	v37 =	vand.u32 $0x380, v50;
	v33 =	vand.u32 $0xFFFE0000, v33  }
0x57: {  	v34 =	vand.u32 $0x380, v34;
	v39 =	vand.u32 $0x380, v55;
	v56 =	vand.u32 $0xFFFE0000, v36  }
0x58: {  	v36 =	vand.u32 $0xFFFE0000, v59;
	v42 =	vand.u32 $0x380, v61;
	v43 =	vand.u32 $0xFFFE0000, v63  }
0x59: {  	v47 =	vand.u32 $0x380, v46;
	v48 =	vshll.u32 v60, $0x7;
	v32 =	vor.u32 v32, v16  }
0x5a: {  	v50 =	vshll.u32 v60, $0xE;
	v51 =	vor.u32 v37, v17;
	v32 =	vor.u32 v35, v32  }
0x5b: {  	v34 =	vor.u32 v34, v18;
	v33 =	vor.u32 v33, v51;
	v35 =	vand.u32 $0xFFFE0000, v53;
	[tilespmem:$0x300] =	vst v32  }
0x5c: {  	v57 =	vor.u32 v39, v19;
	v37 =	vshll.u32 v52, $0x7;
	v34 =	vor.u32 v35, v34;
	[tilespmem:$0x310] =	vst v33  }
0x5d: {  	v44 =	vor.u32 v42, v21;
	v37 =	vand.u32 $0x380, v37;
	v35 =	vor.u32 v56, v57;
	[tilespmem:$0x320] =	vst v34  }
0x5e: {  	v49 =	vor.u32 v47, v22;
	v62 =	vor.u32 v37, v20;
	v33 =	vor.u32 v43, v44;
	[tilespmem:$0x330] =	vst v35  }
0x5f: {  	v32 =	vor.u32 v36, v62;
	v34 =	vand.u32 $0xFFFE0000, v45;
	v36 =	vand.u32 $0x380, v48;
	[tilespmem:$0x350] =	vst v33  }
0x60: {  	v51 =	vand.u32 $0xFFFE0000, v50;
	[tilespmem:$0x340] =	vst v32;
	v32 =	vor.u32 v34, v49;
	v52 =	vor.u32 v36, v23  }
0x61: {  	[tilespmem:$0x360] =	vst v32;
	v53 =	vor.u32 v51, v52  }
0x62: {  	[tilespmem:$0x370] =	vst v53  }
0x63: {  	[tilespmem:s14], [sflag:$0x1] =	stream.indirect.gather [hbm4b:s1+s8], $0x1, s13, s8, $0xb8;
	[tilespmem:$0x600] =	vst v63  }
0x64: {  	v54 =	vld [tilespmem:$0x180]  }
0x65: {  	v55 =	vld [tilespmem:$0x190]  }
0x66: {  	v56 =	vld [tilespmem:$0x1A0]  }
0x67: {  	v58 =	vld [tilespmem:$0x1B0]  }
0x68: {  	v61 =	vld [tilespmem:$0x1C0]  }
0x69: {  	v63 =	vld [tilespmem:$0x1D0]  }
0x6a: {  	v46 =	vld [tilespmem:$0x1E0]  }
0x6b: {  	v48 =	vld [tilespmem:$0x1F0]  }
0x6c: {  	v57 =	vshll.u32 v54, $0xE;
	v32 =	vshll.u32 v54, $0x7  }
0x6d: {  	v59 =	vshll.u32 v55, $0x7;
	v33 =	vshll.u32 v55, $0xE;
	v62 =	vshll.u32 v56, $0xE  }
0x6e: {  	v34 =	vshll.u32 v56, $0x7;
	v43 =	vshll.u32 v58, $0x7;
	v36 =	vshll.u32 v58, $0xE  }
0x6f: {  	v47 =	vshll.u32 v61, $0xE;
	v49 =	vshll.u32 v63, $0x7;
	v51 =	vshll.u32 v63, $0xE  }
0x70: {  	v55 =	vshll.u32 v46, $0xE;
	v56 =	vshll.u32 v46, $0x7;
	v58 =	vshll.u32 v48, $0x7  }
0x71: {  	v35 =	vand.u32 $0xFFFE0000, v57;
	v32 =	vand.u32 $0x380, v32;
	v37 =	vand.u32 $0x380, v59  }
0x72: {  	v33 =	vand.u32 $0xFFFE0000, v33;
	v34 =	vand.u32 $0x380, v34;
	v39 =	vand.u32 $0x380, v43  }
0x73: {  	v44 =	vand.u32 $0xFFFE0000, v36;
	v36 =	vand.u32 $0xFFFE0000, v47;
	v52 =	vand.u32 $0x380, v49  }
0x74: {  	v53 =	vand.u32 $0xFFFE0000, v51;
	v57 =	vand.u32 $0x380, v56;
	v32 =	vor.u32 v32, v24  }
0x75: {  	v60 =	vor.u32 v37, v25;
	v34 =	vor.u32 v34, v26;
	v32 =	vor.u32 v35, v32  }
0x76: {  	v45 =	vor.u32 v39, v27;
	v33 =	vor.u32 v33, v60;
	v35 =	vand.u32 $0xFFFE0000, v62;
	[tilespmem:$0x380] =	vst v32  }
0x77: {  	v37 =	vshll.u32 v61, $0x7;
	v54 =	vor.u32 v52, v29;
	v34 =	vor.u32 v35, v34;
	[tilespmem:$0x390] =	vst v33  }
0x78: {  	v59 =	vor.u32 v57, v30;
	v37 =	vand.u32 $0x380, v37;
	v35 =	vor.u32 v44, v45;
	[tilespmem:$0x3A0] =	vst v34  }
0x79: {  	v60 =	vshll.u32 v48, $0xE;
	v50 =	vor.u32 v37, v28;
	v33 =	vor.u32 v53, v54;
	[tilespmem:$0x3B0] =	vst v35  }
0x7a: {  	v32 =	vor.u32 v36, v50;
	v34 =	vand.u32 $0xFFFE0000, v55;
	v36 =	vand.u32 $0x380, v58;
	[tilespmem:$0x3D0] =	vst v33  }
0x7b: {  	v61 =	vand.u32 $0xFFFE0000, v60;
	[tilespmem:$0x3C0] =	vst v32;
	v32 =	vor.u32 v34, v59;
	v62 =	vor.u32 v36, v31  }
0x7c: {  	[tilespmem:$0x3E0] =	vst v32;
	v63 =	vor.u32 v61, v62  }
0x7d: {  	[tilespmem:$0x3F0] =	vst v63  }
0x7e: {  	[tilespmem:s16], [sflag:$0x1] =	stream.indirect.gather [hbm4b:s1+s8], $0x1, s15, s8, $0xb8;
	[tilespmem:$0x600] =	vst v63  }
0x7f: {  	_ =	swait.ge [sflag:s17], $0x80  }
0x80: {  	[sflag:s17] =	ssyncset.done $0x0  }
0x81: {  	[sflag:s17] =	ssyncadd.s32 $0xFFFFFF80  }
0x82: {  	_ =	swait.ge [sflag:s17], $0x80  }
0x83: {  	[sflag:s17] =	ssyncset.done $0x0  }
0x84: {  	[sflag:s17] =	ssyncadd.s32 $0xFFFFFF80  }
0x85: {  	_ =	swait.ge [sflag:s17], $0x80  }
0x86: {  	[sflag:s17] =	ssyncset.done $0x0  }
0x87: {  	[sflag:s17] =	ssyncadd.s32 $0xFFFFFF80  }
0x88: {  	_ =	swait.ge [sflag:s17], $0x80  }
0x89: {  	p0 =	sne.s32 s6, $0x1;
	[sflag:s17] =	ssyncset.done $0x0  }
.Ltmp0:
0x8a: {  	[sflag:s17] =	ssyncadd.s32 $0xFFFFFF80;
	(pc) =	sbr.rel @p0 .LBB2_1-.Ltmp0, $4  }
0x8b: {  	[hbm4b:s5+s3] =	stream.linear.scatter [tilespmem:s10], [sflag:$0x2], $0x200, $0x38;
	[tilespmem:$0x600] =	vst v63  }
0x8c: {  	_ =	swait.ge [sflag:s7], $0x200  }
0x8d: {  	[sflag:s7] =	ssyncset.done $0x0  }
0x8e: {  	s6 =	sadd.s32 $0xFFFFFFFF, s6;
	[sflag:s7] =	ssyncadd.s32 $0xFFFFFE00  }
0x8f: {  	_ =	sfence.sel $0x180000  }
0x90: {  	[bflag:$0x0] =	sbarrier.arrive $0xFFFF  }
0x91: {  	p0 =	sne.s32 s0, $0x0;
	_ =	strace $0x90000047  }
0x92: {  	s0 =	sadd.s32 @!p0 $0x100000, s2;
	[bflag:$0x2] =	sbarrier.arrive $0xFFFF  }
0x93: {  	[sflag:s0] =	ssyncadd.tile.s32 @!p0 $0x1;
	_ =	shalt  }
.Lfunc_end2:
_tile_overlayer_lowered:
.L_overlay_start_2:
0x94: {  	(tag) =	ssettag $0x2  }
0x95: {  	s0 =	rddreg [dreg:$0x0];
	s2 =	stileid.u32  }
0x96: {  	s1 =	rddreg [dreg:$0x1];
	p0 =	sne.s32 s2, $0x0  }
0x97: {  	s3 =	rddreg [dreg:$0x2];
	[bflag:$0x3] =	sbarrier.arrive $0xFFFF;
	s2 =	simm.s32 @!p0 $0x1C02  }
0x98: {  	[timem:s3], [sflag:s2] =	dma.local @!p0 [hbm:s0], s1  }
0x99: {  	s0 =	simm.s32 @!p0 $0x2  }
0x9a: {  	_ =	swait.ge @!p0 [sflag:s0], s1  }
0x9b: {  	s1 =	ssub.s32 @!p0 $0x0, s1;
	[sflag:s0] =	ssyncset.done @!p0 $0x0  }
0x9c: {  	[sflag:s0] =	ssyncadd.s32 @!p0 s1  }
0x9d: {  	[bflag:$0x3] =	sbarrier.arrive $0xFFFF  }
0x9e: {  	_ =	shalt  }

</sc_bundles>
